<compile_context>
chip_gen: v7x
topology: tpu7x:2x2x1
jax: 0.10.2.dev20260603
libtpu: 0.0.44.dev20260713+nightly
codegen_flags: <defaults>
</compile_context>

<pallas_src>
import functools

import jax
import jax.numpy as jnp
from jax import lax
from jax.experimental import pallas as pl
from jax.experimental.pallas import tpu as pltpu
from jax.experimental.pallas import tpu_sc as plsc

KNOW_LEN = 8334
HIDDEN = 1024
NUM_EMB = 100008
BATCH = 4096
HIST = 50

NC = 2
NS = 16
NW = NC * NS

B = BATCH * HIST
B_PER_W = B // NW
CHUNK = 40
STEPS = B_PER_W // CHUNK
NBUF = 3
NITER = (STEPS - 1) // NBUF


def _sc_gather(know_flat, table):
    mesh = plsc.VectorSubcoreMesh(
        core_axis_name="c", subcore_axis_name="s",
        num_cores=NC, num_subcores=NS)

    @functools.partial(
        pl.kernel,
        out_type=jax.ShapeDtypeStruct((B, HIDDEN), jnp.float32),
        mesh=mesh,
        scratch_types=(
            [pltpu.VMEM((B_PER_W,), jnp.int32)]
            + [pltpu.VMEM((CHUNK, HIDDEN), jnp.float32)] * NBUF
            + [pltpu.SemaphoreType.DMA] * (2 * NBUF)
        ),
    )
    def k(idx_hbm, table_hbm, out_hbm, idx_v, *bufs):
        rows_bufs = bufs[:NBUF]
        gsems = bufs[NBUF:2 * NBUF]
        ssems = bufs[2 * NBUF:]
        wid = lax.axis_index("s") * NC + lax.axis_index("c")
        base = wid * B_PER_W
        slots = tuple(zip(rows_bufs, gsems, ssems))

        pltpu.sync_copy(idx_hbm.at[pl.ds(base, B_PER_W)], idx_v)

        def idx_at(g):
            return idx_v.at[pl.ds(g * CHUNK, CHUNK)]

        def out_at(g):
            return out_hbm.at[pl.ds(base + g * CHUNK, CHUNK)]

        for b, (rows, gsem, _) in enumerate(slots):
            pltpu.async_copy(table_hbm.at[idx_at(b)], rows, gsem)

        def body(i, carry):
            g0 = i * NBUF
            for b, (rows, gsem, ssem) in enumerate(slots):
                g = g0 + b
                pltpu.make_async_copy(table_hbm.at[idx_at(g)], rows, gsem).wait()
                pltpu.async_copy(rows, out_at(g), ssem)
            for b, (rows, gsem, ssem) in enumerate(slots):
                g = g0 + b

                @pl.when(g + NBUF < STEPS)
                def _(rows=rows, gsem=gsem, ssem=ssem, g=g):
                    pltpu.make_async_copy(rows, out_at(g), ssem).wait()
                    pltpu.async_copy(table_hbm.at[idx_at(g + NBUF)], rows, gsem)
            return carry

        lax.fori_loop(0, NITER, body, 0)

        tail = NITER * NBUF
        for b in range(STEPS - tail):
            rows, gsem, ssem = slots[b]
            g = tail + b
            pltpu.make_async_copy(table_hbm.at[idx_at(g)], rows, gsem).wait()
            pltpu.async_copy(rows, out_at(g), ssem)
            pltpu.make_async_copy(rows, out_at(g), ssem).wait()
        for b in range(STEPS - tail, NBUF):
            rows, _, ssem = slots[b]
            g = tail - NBUF + b
            pltpu.make_async_copy(rows, out_at(g), ssem).wait()

    return k(know_flat, table)


def kernel(know, table):
    out = _sc_gather(know.T.reshape(-1), table)
    return out.reshape(HIST, BATCH, HIDDEN).transpose(1, 0, 2)

# --- scband reference (transcript-rebuilt; emitter-appended) ---
"""Pipeline reference for scband-know-concat-2860448219362 (READ-ONLY COPY).

The authoritative reference and input builder live on the scoring server;
editing this copy changes nothing except your own understanding.
"""

import jax, jax.numpy as jnp
import numpy as np

KNOW_LEN = 8334
HIDDEN_SIZE = 1024
PADDING_LAYERS = 6
NUM_EMBEDDINGS = 2 * PADDING_LAYERS * KNOW_LEN  # 100008
BATCH = 4096
HIST = 50


def setup_inputs(seed: int = 0) -> dict:
    key = jax.random.key(seed)
    k_idx, k_tab = jax.random.split(key)
    know = jax.random.randint(k_idx, (BATCH, HIST), 0, NUM_EMBEDDINGS, dtype=jnp.int32)
    # Embedding weight, initialized like torch.nn.Embedding (standard normal)
    table = jax.random.normal(k_tab, (NUM_EMBEDDINGS, HIDDEN_SIZE), dtype=jnp.float32)
    return {"know": know, "table": table}


def reference(know, table):
    # Faithful translation of KnowConcat.forward: embedding lookup
    return jnp.take(table, know, axis=0)

if __name__ == "__main__":
    import jax
    _d = setup_inputs()
    print(jax.jit(kernel)(*tuple(_d.values())))

</pallas_src>

<mosaic_0001>
#map = affine_map<(d0, d1) -> (0)>
#map1 = affine_map<(d0, d1) -> (0, 0)>
module attributes {stable_mosaic.version = 14 : i64} {
  func.func @k(%arg0: i32, %arg1: i32, %arg2: memref<204800xi32, #tpu.memory_space<hbm>>, %arg3: memref<100008x1024xf32, #tpu.memory_space<hbm>>, %arg4: memref<204800x1024xf32, #tpu.memory_space<hbm>>, %arg5: memref<6400xi32, #tpu.memory_space<vmem>>, %arg6: memref<40x1024xf32, #tpu.memory_space<vmem>>, %arg7: memref<40x1024xf32, #tpu.memory_space<vmem>>, %arg8: memref<40x1024xf32, #tpu.memory_space<vmem>>, %arg9: memref<!tpu.dma_semaphore, #tpu.memory_space<semaphore_mem>>, %arg10: memref<!tpu.dma_semaphore, #tpu.memory_space<semaphore_mem>>, %arg11: memref<!tpu.dma_semaphore, #tpu.memory_space<semaphore_mem>>, %arg12: memref<!tpu.dma_semaphore, #tpu.memory_space<semaphore_mem>>, %arg13: memref<!tpu.dma_semaphore, #tpu.memory_space<semaphore_mem>>, %arg14: memref<!tpu.dma_semaphore, #tpu.memory_space<semaphore_mem>>) attributes {dimension_semantics = [#tpu.dimension_semantics<core_parallel>, #tpu.dimension_semantics<subcore_parallel>], iteration_bounds = array<i64: 2, 16>, scalar_prefetch = 0 : i64, scratch_operands = 10 : i64, tpu.core_type = #tpu.core_type<sc_vector_subcore>, window_params = [{transform_indices = #map}, {transform_indices = #map1}, {transform_indices = #map1}]} {
    %mul3A = arith.constant 2 : i32
    %mul3A_0 = arith.muli %arg1, %mul3A : i32
    %add3A = arith.addi %mul3A_0, %arg0 : i32
    %mul3A_1 = arith.constant 6400 : i32
    %mul3A_2 = arith.muli %add3A, %mul3A_1 : i32
    "tpu.region"() ({
      %run_scoped3A = tpu.sem_alloc : memref<!tpu.dma_semaphore, #tpu.memory_space<semaphore_mem>>
      %dma_start3A_50 = tpu.memref_slice %arg2[%mul3A_2] : memref<204800xi32, #tpu.memory_space<hbm>> -> memref<6400xi32, #tpu.memory_space<hbm>>
      %dma_start3A_51 = tpu.memref_slice %arg2[%mul3A_2] : memref<204800xi32, #tpu.memory_space<hbm>> -> memref<6400xi32, #tpu.memory_space<hbm>>
      tpu.enqueue_dma source(%dma_start3A_51 : memref<6400xi32, #tpu.memory_space<hbm>>) target(%arg5 : memref<6400xi32, #tpu.memory_space<vmem>>) target_semaphore(%run_scoped3A : memref<!tpu.dma_semaphore, #tpu.memory_space<semaphore_mem>>)
      %dma_wait3A_52 = tpu.memref_slice %arg2[%mul3A_2] : memref<204800xi32, #tpu.memory_space<hbm>> -> memref<6400xi32, #tpu.memory_space<hbm>>
      %dma_wait3A_53 = tpu.memref_slice %arg2[%mul3A_2] : memref<204800xi32, #tpu.memory_space<hbm>> -> memref<6400xi32, #tpu.memory_space<hbm>>
      tpu.wait_dma2 semaphore(%run_scoped3A : memref<!tpu.dma_semaphore, #tpu.memory_space<semaphore_mem>>) src(%dma_wait3A_53 : memref<6400xi32, #tpu.memory_space<hbm>>) dst(%arg5 : memref<6400xi32, #tpu.memory_space<vmem>>)
      tpu.yield
    }) : () -> ()
    %dma_start3A = arith.constant 0 : i32
    %dma_start3A_3 = tpu.memref_slice %arg5[%dma_start3A] : memref<6400xi32, #tpu.memory_space<vmem>> -> memref<40xi32, #tpu.memory_space<vmem>>
    %dma_start3A_4 = arith.constant 0 : i32
    %dma_start3A_5 = arith.constant 0 : i32
    %dma_start3A_6 = tpu.memref_slice %arg3[%dma_start3A_4, %dma_start3A_5] : memref<100008x1024xf32, #tpu.memory_space<hbm>> -> memref<100008x1024xf32, #tpu.memory_space<hbm>>
    tpu.enqueue_indirect_dma source(%dma_start3A_6 : memref<100008x1024xf32, #tpu.memory_space<hbm>>) target(%arg6 : memref<40x1024xf32, #tpu.memory_space<vmem>>) offsets(%dma_start3A_3 : memref<40xi32, #tpu.memory_space<vmem>>) semaphore(%arg9 : memref<!tpu.dma_semaphore, #tpu.memory_space<semaphore_mem>>)
    %dma_start3A_7 = arith.constant 40 : i32
    %dma_start3A_8 = tpu.memref_slice %arg5[%dma_start3A_7] : memref<6400xi32, #tpu.memory_space<vmem>> -> memref<40xi32, #tpu.memory_space<vmem>>
    %dma_start3A_9 = arith.constant 0 : i32
    %dma_start3A_10 = arith.constant 0 : i32
    %dma_start3A_11 = tpu.memref_slice %arg3[%dma_start3A_9, %dma_start3A_10] : memref<100008x1024xf32, #tpu.memory_space<hbm>> -> memref<100008x1024xf32, #tpu.memory_space<hbm>>
    tpu.enqueue_indirect_dma source(%dma_start3A_11 : memref<100008x1024xf32, #tpu.memory_space<hbm>>) target(%arg7 : memref<40x1024xf32, #tpu.memory_space<vmem>>) offsets(%dma_start3A_8 : memref<40xi32, #tpu.memory_space<vmem>>) semaphore(%arg10 : memref<!tpu.dma_semaphore, #tpu.memory_space<semaphore_mem>>)
    %dma_start3A_12 = arith.constant 80 : i32
    %dma_start3A_13 = tpu.memref_slice %arg5[%dma_start3A_12] : memref<6400xi32, #tpu.memory_space<vmem>> -> memref<40xi32, #tpu.memory_space<vmem>>
    %dma_start3A_14 = arith.constant 0 : i32
    %dma_start3A_15 = arith.constant 0 : i32
    %dma_start3A_16 = tpu.memref_slice %arg3[%dma_start3A_14, %dma_start3A_15] : memref<100008x1024xf32, #tpu.memory_space<hbm>> -> memref<100008x1024xf32, #tpu.memory_space<hbm>>
    tpu.enqueue_indirect_dma source(%dma_start3A_16 : memref<100008x1024xf32, #tpu.memory_space<hbm>>) target(%arg8 : memref<40x1024xf32, #tpu.memory_space<vmem>>) offsets(%dma_start3A_13 : memref<40xi32, #tpu.memory_space<vmem>>) semaphore(%arg11 : memref<!tpu.dma_semaphore, #tpu.memory_space<semaphore_mem>>)
    %scan3A = arith.constant 0 : i32
    %scan3A_17 = arith.constant 0 : i32
    %scan3A_18 = arith.constant 53 : i32
    %scan3A_19 = arith.addi %scan3A_17, %scan3A_18 : i32
    %scan3A_20 = arith.constant 1 : i32
    scf.for %scan3A_50 = %scan3A_17 to %scan3A_19 step %scan3A_20  : i32 {
      %mul3A_51 = arith.constant 3 : i32
      %mul3A_52 = arith.muli %scan3A_50, %mul3A_51 : i32
      %add3A_53 = arith.constant 0 : i32
      %add3A_54 = arith.addi %mul3A_52, %add3A_53 : i32
      %mul3A_55 = arith.constant 40 : i32
      %mul3A_56 = arith.muli %add3A_54, %mul3A_55 : i32
      %dma_wait3A_57 = tpu.memref_slice %arg5[%mul3A_56] : memref<6400xi32, #tpu.memory_space<vmem>> -> memref<40xi32, #tpu.memory_space<vmem>>
      %dma_wait3A_58 = arith.constant 0 : i32
      %dma_wait3A_59 = arith.constant 0 : i32
      %dma_wait3A_60 = tpu.memref_slice %arg3[%dma_wait3A_58, %dma_wait3A_59] : memref<100008x1024xf32, #tpu.memory_space<hbm>> -> memref<100008x1024xf32, #tpu.memory_space<hbm>>
      tpu.wait_indirect_dma semaphore(%arg9 : memref<!tpu.dma_semaphore, #tpu.memory_space<semaphore_mem>>) src(%dma_wait3A_60 : memref<100008x1024xf32, #tpu.memory_space<hbm>>) dst(%arg6 : memref<40x1024xf32, #tpu.memory_space<vmem>>)
      %mul3A_61 = arith.constant 40 : i32
      %mul3A_62 = arith.muli %add3A_54, %mul3A_61 : i32
      %add3A_63 = arith.addi %mul3A_2, %mul3A_62 : i32
      %dma_start3A_64 = arith.constant 0 : i32
      %dma_start3A_65 = tpu.memref_slice %arg4[%add3A_63, %dma_start3A_64] : memref<204800x1024xf32, #tpu.memory_space<hbm>> -> memref<40x1024xf32, #tpu.memory_space<hbm>>
      %dma_start3A_66 = arith.constant 0 : i32
      %dma_start3A_67 = tpu.memref_slice %arg4[%add3A_63, %dma_start3A_66] : memref<204800x1024xf32, #tpu.memory_space<hbm>> -> memref<40x1024xf32, #tpu.memory_space<hbm>>
      tpu.enqueue_dma source(%arg6 : memref<40x1024xf32, #tpu.memory_space<vmem>>) target(%dma_start3A_67 : memref<40x1024xf32, #tpu.memory_space<hbm>>) target_semaphore(%arg12 : memref<!tpu.dma_semaphore, #tpu.memory_space<semaphore_mem>>)
      %add3A_68 = arith.constant 1 : i32
      %add3A_69 = arith.addi %mul3A_52, %add3A_68 : i32
      %mul3A_70 = arith.constant 40 : i32
      %mul3A_71 = arith.muli %add3A_69, %mul3A_70 : i32
      %dma_wait3A_72 = tpu.memref_slice %arg5[%mul3A_71] : memref<6400xi32, #tpu.memory_space<vmem>> -> memref<40xi32, #tpu.memory_space<vmem>>
      %dma_wait3A_73 = arith.constant 0 : i32
      %dma_wait3A_74 = arith.constant 0 : i32
      %dma_wait3A_75 = tpu.memref_slice %arg3[%dma_wait3A_73, %dma_wait3A_74] : memref<100008x1024xf32, #tpu.memory_space<hbm>> -> memref<100008x1024xf32, #tpu.memory_space<hbm>>
      tpu.wait_indirect_dma semaphore(%arg10 : memref<!tpu.dma_semaphore, #tpu.memory_space<semaphore_mem>>) src(%dma_wait3A_75 : memref<100008x1024xf32, #tpu.memory_space<hbm>>) dst(%arg7 : memref<40x1024xf32, #tpu.memory_space<vmem>>)
      %mul3A_76 = arith.constant 40 : i32
      %mul3A_77 = arith.muli %add3A_69, %mul3A_76 : i32
      %add3A_78 = arith.addi %mul3A_2, %mul3A_77 : i32
      %dma_start3A_79 = arith.constant 0 : i32
      %dma_start3A_80 = tpu.memref_slice %arg4[%add3A_78, %dma_start3A_79] : memref<204800x1024xf32, #tpu.memory_space<hbm>> -> memref<40x1024xf32, #tpu.memory_space<hbm>>
      %dma_start3A_81 = arith.constant 0 : i32
      %dma_start3A_82 = tpu.memref_slice %arg4[%add3A_78, %dma_start3A_81] : memref<204800x1024xf32, #tpu.memory_space<hbm>> -> memref<40x1024xf32, #tpu.memory_space<hbm>>
      tpu.enqueue_dma source(%arg7 : memref<40x1024xf32, #tpu.memory_space<vmem>>) target(%dma_start3A_82 : memref<40x1024xf32, #tpu.memory_space<hbm>>) target_semaphore(%arg13 : memref<!tpu.dma_semaphore, #tpu.memory_space<semaphore_mem>>)
      %add3A_83 = arith.constant 2 : i32
      %add3A_84 = arith.addi %mul3A_52, %add3A_83 : i32
      %mul3A_85 = arith.constant 40 : i32
      %mul3A_86 = arith.muli %add3A_84, %mul3A_85 : i32
      %dma_wait3A_87 = tpu.memref_slice %arg5[%mul3A_86] : memref<6400xi32, #tpu.memory_space<vmem>> -> memref<40xi32, #tpu.memory_space<vmem>>
      %dma_wait3A_88 = arith.constant 0 : i32
      %dma_wait3A_89 = arith.constant 0 : i32
      %dma_wait3A_90 = tpu.memref_slice %arg3[%dma_wait3A_88, %dma_wait3A_89] : memref<100008x1024xf32, #tpu.memory_space<hbm>> -> memref<100008x1024xf32, #tpu.memory_space<hbm>>
      tpu.wait_indirect_dma semaphore(%arg11 : memref<!tpu.dma_semaphore, #tpu.memory_space<semaphore_mem>>) src(%dma_wait3A_90 : memref<100008x1024xf32, #tpu.memory_space<hbm>>) dst(%arg8 : memref<40x1024xf32, #tpu.memory_space<vmem>>)
      %mul3A_91 = arith.constant 40 : i32
      %mul3A_92 = arith.muli %add3A_84, %mul3A_91 : i32
      %add3A_93 = arith.addi %mul3A_2, %mul3A_92 : i32
      %dma_start3A_94 = arith.constant 0 : i32
      %dma_start3A_95 = tpu.memref_slice %arg4[%add3A_93, %dma_start3A_94] : memref<204800x1024xf32, #tpu.memory_space<hbm>> -> memref<40x1024xf32, #tpu.memory_space<hbm>>
      %dma_start3A_96 = arith.constant 0 : i32
      %dma_start3A_97 = tpu.memref_slice %arg4[%add3A_93, %dma_start3A_96] : memref<204800x1024xf32, #tpu.memory_space<hbm>> -> memref<40x1024xf32, #tpu.memory_space<hbm>>
      tpu.enqueue_dma source(%arg8 : memref<40x1024xf32, #tpu.memory_space<vmem>>) target(%dma_start3A_97 : memref<40x1024xf32, #tpu.memory_space<hbm>>) target_semaphore(%arg14 : memref<!tpu.dma_semaphore, #tpu.memory_space<semaphore_mem>>)
      %add3A_98 = arith.constant 0 : i32
      %add3A_99 = arith.addi %mul3A_52, %add3A_98 : i32
      %add3A_100 = arith.constant 3 : i32
      %add3A_101 = arith.addi %add3A_99, %add3A_100 : i32
      %lt3A = arith.constant 160 : i32
      %lt3A_102 = arith.cmpi slt, %add3A_101, %lt3A : i32
      %convert_element_type3A = arith.extui %lt3A_102 : i1 to i32
      %cond3A = arith.constant 0 : i32
      %cond3A_103 = arith.cmpi ne, %convert_element_type3A, %cond3A : i32
      scf.if %cond3A_103 {
        %mul3A_122 = arith.constant 40 : i32
        %mul3A_123 = arith.muli %add3A_99, %mul3A_122 : i32
        %add3A_124 = arith.addi %mul3A_2, %mul3A_123 : i32
        %dma_wait3A_125 = arith.constant 0 : i32
        %dma_wait3A_126 = tpu.memref_slice %arg4[%add3A_124, %dma_wait3A_125] : memref<204800x1024xf32, #tpu.memory_space<hbm>> -> memref<40x1024xf32, #tpu.memory_space<hbm>>
        %dma_wait3A_127 = arith.constant 0 : i32
        %dma_wait3A_128 = tpu.memref_slice %arg4[%add3A_124, %dma_wait3A_127] : memref<204800x1024xf32, #tpu.memory_space<hbm>> -> memref<40x1024xf32, #tpu.memory_space<hbm>>
        tpu.wait_dma2 semaphore(%arg12 : memref<!tpu.dma_semaphore, #tpu.memory_space<semaphore_mem>>) src(%arg6 : memref<40x1024xf32, #tpu.memory_space<vmem>>) dst(%dma_wait3A_128 : memref<40x1024xf32, #tpu.memory_space<hbm>>)
        %add3A_129 = arith.constant 3 : i32
        %add3A_130 = arith.addi %add3A_99, %add3A_129 : i32
        %mul3A_131 = arith.constant 40 : i32
        %mul3A_132 = arith.muli %add3A_130, %mul3A_131 : i32
        %dma_start3A_133 = tpu.memref_slice %arg5[%mul3A_132] : memref<6400xi32, #tpu.memory_space<vmem>> -> memref<40xi32, #tpu.memory_space<vmem>>
        %dma_start3A_134 = arith.constant 0 : i32
        %dma_start3A_135 = arith.constant 0 : i32
        %dma_start3A_136 = tpu.memref_slice %arg3[%dma_start3A_134, %dma_start3A_135] : memref<100008x1024xf32, #tpu.memory_space<hbm>> -> memref<100008x1024xf32, #tpu.memory_space<hbm>>
        tpu.enqueue_indirect_dma source(%dma_start3A_136 : memref<100008x1024xf32, #tpu.memory_space<hbm>>) target(%arg6 : memref<40x1024xf32, #tpu.memory_space<vmem>>) offsets(%dma_start3A_133 : memref<40xi32, #tpu.memory_space<vmem>>) semaphore(%arg9 : memref<!tpu.dma_semaphore, #tpu.memory_space<semaphore_mem>>)
      } else {
      }
      %add3A_104 = arith.constant 1 : i32
      %add3A_105 = arith.addi %mul3A_52, %add3A_104 : i32
      %add3A_106 = arith.constant 3 : i32
      %add3A_107 = arith.addi %add3A_105, %add3A_106 : i32
      %lt3A_108 = arith.constant 160 : i32
      %lt3A_109 = arith.cmpi slt, %add3A_107, %lt3A_108 : i32
      %convert_element_type3A_110 = arith.extui %lt3A_109 : i1 to i32
      %cond3A_111 = arith.constant 0 : i32
      %cond3A_112 = arith.cmpi ne, %convert_element_type3A_110, %cond3A_111 : i32
      scf.if %cond3A_112 {
        %mul3A_122 = arith.constant 40 : i32
        %mul3A_123 = arith.muli %add3A_105, %mul3A_122 : i32
        %add3A_124 = arith.addi %mul3A_2, %mul3A_123 : i32
        %dma_wait3A_125 = arith.constant 0 : i32
        %dma_wait3A_126 = tpu.memref_slice %arg4[%add3A_124, %dma_wait3A_125] : memref<204800x1024xf32, #tpu.memory_space<hbm>> -> memref<40x1024xf32, #tpu.memory_space<hbm>>
        %dma_wait3A_127 = arith.constant 0 : i32
        %dma_wait3A_128 = tpu.memref_slice %arg4[%add3A_124, %dma_wait3A_127] : memref<204800x1024xf32, #tpu.memory_space<hbm>> -> memref<40x1024xf32, #tpu.memory_space<hbm>>
        tpu.wait_dma2 semaphore(%arg13 : memref<!tpu.dma_semaphore, #tpu.memory_space<semaphore_mem>>) src(%arg7 : memref<40x1024xf32, #tpu.memory_space<vmem>>) dst(%dma_wait3A_128 : memref<40x1024xf32, #tpu.memory_space<hbm>>)
        %add3A_129 = arith.constant 3 : i32
        %add3A_130 = arith.addi %add3A_105, %add3A_129 : i32
        %mul3A_131 = arith.constant 40 : i32
        %mul3A_132 = arith.muli %add3A_130, %mul3A_131 : i32
        %dma_start3A_133 = tpu.memref_slice %arg5[%mul3A_132] : memref<6400xi32, #tpu.memory_space<vmem>> -> memref<40xi32, #tpu.memory_space<vmem>>
        %dma_start3A_134 = arith.constant 0 : i32
        %dma_start3A_135 = arith.constant 0 : i32
        %dma_start3A_136 = tpu.memref_slice %arg3[%dma_start3A_134, %dma_start3A_135] : memref<100008x1024xf32, #tpu.memory_space<hbm>> -> memref<100008x1024xf32, #tpu.memory_space<hbm>>
        tpu.enqueue_indirect_dma source(%dma_start3A_136 : memref<100008x1024xf32, #tpu.memory_space<hbm>>) target(%arg7 : memref<40x1024xf32, #tpu.memory_space<vmem>>) offsets(%dma_start3A_133 : memref<40xi32, #tpu.memory_space<vmem>>) semaphore(%arg10 : memref<!tpu.dma_semaphore, #tpu.memory_space<semaphore_mem>>)
      } else {
      }
      %add3A_113 = arith.constant 2 : i32
      %add3A_114 = arith.addi %mul3A_52, %add3A_113 : i32
      %add3A_115 = arith.constant 3 : i32
      %add3A_116 = arith.addi %add3A_114, %add3A_115 : i32
      %lt3A_117 = arith.constant 160 : i32
      %lt3A_118 = arith.cmpi slt, %add3A_116, %lt3A_117 : i32
      %convert_element_type3A_119 = arith.extui %lt3A_118 : i1 to i32
      %cond3A_120 = arith.constant 0 : i32
      %cond3A_121 = arith.cmpi ne, %convert_element_type3A_119, %cond3A_120 : i32
      scf.if %cond3A_121 {
        %mul3A_122 = arith.constant 40 : i32
        %mul3A_123 = arith.muli %add3A_114, %mul3A_122 : i32
        %add3A_124 = arith.addi %mul3A_2, %mul3A_123 : i32
        %dma_wait3A_125 = arith.constant 0 : i32
        %dma_wait3A_126 = tpu.memref_slice %arg4[%add3A_124, %dma_wait3A_125] : memref<204800x1024xf32, #tpu.memory_space<hbm>> -> memref<40x1024xf32, #tpu.memory_space<hbm>>
        %dma_wait3A_127 = arith.constant 0 : i32
        %dma_wait3A_128 = tpu.memref_slice %arg4[%add3A_124, %dma_wait3A_127] : memref<204800x1024xf32, #tpu.memory_space<hbm>> -> memref<40x1024xf32, #tpu.memory_space<hbm>>
        tpu.wait_dma2 semaphore(%arg14 : memref<!tpu.dma_semaphore, #tpu.memory_space<semaphore_mem>>) src(%arg8 : memref<40x1024xf32, #tpu.memory_space<vmem>>) dst(%dma_wait3A_128 : memref<40x1024xf32, #tpu.memory_space<hbm>>)
        %add3A_129 = arith.constant 3 : i32
        %add3A_130 = arith.addi %add3A_114, %add3A_129 : i32
        %mul3A_131 = arith.constant 40 : i32
        %mul3A_132 = arith.muli %add3A_130, %mul3A_131 : i32
        %dma_start3A_133 = tpu.memref_slice %arg5[%mul3A_132] : memref<6400xi32, #tpu.memory_space<vmem>> -> memref<40xi32, #tpu.memory_space<vmem>>
        %dma_start3A_134 = arith.constant 0 : i32
        %dma_start3A_135 = arith.constant 0 : i32
        %dma_start3A_136 = tpu.memref_slice %arg3[%dma_start3A_134, %dma_start3A_135] : memref<100008x1024xf32, #tpu.memory_space<hbm>> -> memref<100008x1024xf32, #tpu.memory_space<hbm>>
        tpu.enqueue_indirect_dma source(%dma_start3A_136 : memref<100008x1024xf32, #tpu.memory_space<hbm>>) target(%arg8 : memref<40x1024xf32, #tpu.memory_space<vmem>>) offsets(%dma_start3A_133 : memref<40xi32, #tpu.memory_space<vmem>>) semaphore(%arg11 : memref<!tpu.dma_semaphore, #tpu.memory_space<semaphore_mem>>)
      } else {
      }
    }
    %scan3A_21 = arith.constant 53 : i32
    %dma_wait3A = arith.constant 6360 : i32
    %dma_wait3A_22 = tpu.memref_slice %arg5[%dma_wait3A] : memref<6400xi32, #tpu.memory_space<vmem>> -> memref<40xi32, #tpu.memory_space<vmem>>
    %dma_wait3A_23 = arith.constant 0 : i32
    %dma_wait3A_24 = arith.constant 0 : i32
    %dma_wait3A_25 = tpu.memref_slice %arg3[%dma_wait3A_23, %dma_wait3A_24] : memref<100008x1024xf32, #tpu.memory_space<hbm>> -> memref<100008x1024xf32, #tpu.memory_space<hbm>>
    tpu.wait_indirect_dma semaphore(%arg9 : memref<!tpu.dma_semaphore, #tpu.memory_space<semaphore_mem>>) src(%dma_wait3A_25 : memref<100008x1024xf32, #tpu.memory_space<hbm>>) dst(%arg6 : memref<40x1024xf32, #tpu.memory_space<vmem>>)
    %add3A_26 = arith.constant 6360 : i32
    %add3A_27 = arith.addi %mul3A_2, %add3A_26 : i32
    %dma_start3A_28 = arith.constant 0 : i32
    %dma_start3A_29 = tpu.memref_slice %arg4[%add3A_27, %dma_start3A_28] : memref<204800x1024xf32, #tpu.memory_space<hbm>> -> memref<40x1024xf32, #tpu.memory_space<hbm>>
    %dma_start3A_30 = arith.constant 0 : i32
    %dma_start3A_31 = tpu.memref_slice %arg4[%add3A_27, %dma_start3A_30] : memref<204800x1024xf32, #tpu.memory_space<hbm>> -> memref<40x1024xf32, #tpu.memory_space<hbm>>
    tpu.enqueue_dma source(%arg6 : memref<40x1024xf32, #tpu.memory_space<vmem>>) target(%dma_start3A_31 : memref<40x1024xf32, #tpu.memory_space<hbm>>) target_semaphore(%arg12 : memref<!tpu.dma_semaphore, #tpu.memory_space<semaphore_mem>>)
    %add3A_32 = arith.constant 6360 : i32
    %add3A_33 = arith.addi %mul3A_2, %add3A_32 : i32
    %dma_wait3A_34 = arith.constant 0 : i32
    %dma_wait3A_35 = tpu.memref_slice %arg4[%add3A_33, %dma_wait3A_34] : memref<204800x1024xf32, #tpu.memory_space<hbm>> -> memref<40x1024xf32, #tpu.memory_space<hbm>>
    %dma_wait3A_36 = arith.constant 0 : i32
    %dma_wait3A_37 = tpu.memref_slice %arg4[%add3A_33, %dma_wait3A_36] : memref<204800x1024xf32, #tpu.memory_space<hbm>> -> memref<40x1024xf32, #tpu.memory_space<hbm>>
    tpu.wait_dma2 semaphore(%arg12 : memref<!tpu.dma_semaphore, #tpu.memory_space<semaphore_mem>>) src(%arg6 : memref<40x1024xf32, #tpu.memory_space<vmem>>) dst(%dma_wait3A_37 : memref<40x1024xf32, #tpu.memory_space<hbm>>)
    %add3A_38 = arith.constant 6280 : i32
    %add3A_39 = arith.addi %mul3A_2, %add3A_38 : i32
    %dma_wait3A_40 = arith.constant 0 : i32
    %dma_wait3A_41 = tpu.memref_slice %arg4[%add3A_39, %dma_wait3A_40] : memref<204800x1024xf32, #tpu.memory_space<hbm>> -> memref<40x1024xf32, #tpu.memory_space<hbm>>
    %dma_wait3A_42 = arith.constant 0 : i32
    %dma_wait3A_43 = tpu.memref_slice %arg4[%add3A_39, %dma_wait3A_42] : memref<204800x1024xf32, #tpu.memory_space<hbm>> -> memref<40x1024xf32, #tpu.memory_space<hbm>>
    tpu.wait_dma2 semaphore(%arg13 : memref<!tpu.dma_semaphore, #tpu.memory_space<semaphore_mem>>) src(%arg7 : memref<40x1024xf32, #tpu.memory_space<vmem>>) dst(%dma_wait3A_43 : memref<40x1024xf32, #tpu.memory_space<hbm>>)
    %add3A_44 = arith.constant 6320 : i32
    %add3A_45 = arith.addi %mul3A_2, %add3A_44 : i32
    %dma_wait3A_46 = arith.constant 0 : i32
    %dma_wait3A_47 = tpu.memref_slice %arg4[%add3A_45, %dma_wait3A_46] : memref<204800x1024xf32, #tpu.memory_space<hbm>> -> memref<40x1024xf32, #tpu.memory_space<hbm>>
    %dma_wait3A_48 = arith.constant 0 : i32
    %dma_wait3A_49 = tpu.memref_slice %arg4[%add3A_45, %dma_wait3A_48] : memref<204800x1024xf32, #tpu.memory_space<hbm>> -> memref<40x1024xf32, #tpu.memory_space<hbm>>
    tpu.wait_dma2 semaphore(%arg14 : memref<!tpu.dma_semaphore, #tpu.memory_space<semaphore_mem>>) src(%arg8 : memref<40x1024xf32, #tpu.memory_space<vmem>>) dst(%dma_wait3A_49 : memref<40x1024xf32, #tpu.memory_space<hbm>>)
    return
  }
}

</mosaic_0001>

<sc_bundles>
// kernel: kernel.3.cloned.1.call-start
scs
__scs_entry_jumppad:
0x0: {  	(pc) =	sbr.rel $0x88, $3  }
0x1: {  	(tag) =	ssettag $0x0;
	lr =	simm.s32 $0x1  }
0x2: {  	[smem:$0x3F9F] =	sst lr;
	_ =	strace $0xD0000000  }
0x3: {  	_ = 	snop  }
0x4: {  	_ = 	snop  }
0x5: {  	_ = 	snop  }
0x6: {  	_ = 	snop  }
0x7: {  	_ = 	snop  }
__scs_overlays_trampoline_lowered:
0x8: {  	[smem:$0x3FAE] =	sst s0  }
0x9: {  	[smem:$0x3FAF] =	sst s1  }
0xa: {  	[smem:$0x3FB0] =	sst s2  }
0xb: {  	[smem:$0x3FB1] =	sst s3  }
0xc: {  	[smem:$0x3FB2] =	sst s4  }
0xd: {  	[smem:$0x3FB3] =	sst s5  }
0xe: {  	[smem:$0x3FB4] =	sst s6  }
0xf: {  	[smem:$0x3FB5] =	sst s7  }
0x10: {  	[smem:$0x3FB6] =	sst s8  }
0x11: {  	[smem:$0x3FB7] =	sst s9;
	s0 =	simm.s32 @!p0 $0x0  }
0x12: {  	s1 =	sld [smem:$0x3F9D];
	s0 =	simm.s32 @p0 $0x1  }
0x13: {  	[smem:$0x3FB8] =	sst s0;
	s0 =	simm.s32 @!p1 $0x0  }
0x14: {  	s2 =	sld [smem:$0x3F9C];
	s0 =	simm.s32 @p1 $0x1  }
0x15: {  	[smem:$0x3FB9] =	sst s0;
	s0 =	simm.s32 @!p2 $0x0  }
0x16: {  	s3 =	sld [smem:$0x3FDB];
	s0 =	simm.s32 @p2 $0x1  }
0x17: {  	s4 =	simm.s32 $0x1BF5;
	[smem:$0x3FBB] =	sst s0  }
0x18: {  	s0 =	sld [smem:$0x3F9E];
	_ =	swait.ge [sflag:s4], $0x0  }
0x19: {  	s7 =	sld [smem:$0x3F9F]  }
0x1a: {  	s8 =	sadd.s32 $0xFFFFE003, lr  }
0x1b: {  	s9 =	sadd.s32 $0xFFFFFEF7, lr;
	s5 =	simm.s32 $0xFFFFFFFF;
	p2 =	slt.u32 s8, $0xFFFFF086  }
0x1c: {  	p1 =	slt.u32 s9, $0xF7A;
	s5 =	simm.s32 @!p2 $0x0  }
0x1d: {  	s5 =	simm.s32 @p1 $0x1;
	p0 =	seq.s32 s7, s2  }
0x1e: {  	s7 =	smul.u32 @!p0 $0xF7A, s2;
	p2 =	seq.s32 @!p0 s5, $0x0  }
0x1f: {  	s9 =	smul.u32 $0xF7A, s1;
	s8 =	simm.s32 @!p0 $0x1BF5;
	p2 =	por !p2, p0  }
0x20: {  	[sflag:s8] =	ssyncset.s32 @!p0 $0xFFFFF086;
	s6 =	sadd.s32 @!p0 s3, s7;
	s7 =	simm.s32 @!p0 $0x108  }
0x21: {  	s3 =	sadd.s32 s3, s9;
	s6 =	sadd.s32 @!p0 $0x88, s6;
	s7 =	simm.s32 @p2 $0x1082  }
0x22: {  	[simem:s7], [sflag:s8] =	dma.local @!p0 [hbm:s6], $0xF7A  }
0x23: {  	s9 =	sor.u32 $0xD0000000, s2;
	s6 =	simm.s32 $0x108;
	_ =	swait.ge @!p0 [sflag:s8], $0x0  }
0x24: {  	s3 =	sadd.s32 $0x88, s3;
	s6 =	simm.s32 @!p1 $0x1082;
	[sflag:s4] =	ssyncset.s32 $0xFFFFF086  }
0x25: {  	[simem:s6], [sflag:s4] =	dma.local [hbm:s3], $0xF7A  }
0x26: {  	[smem:$0x3F9F] =	sst s1;
	(tag) =	ssettag s2;
	_ =	strace s9  }
0x27: {  	s1 =	sld [smem:$0x3FAF]  }
0x28: {  	s2 =	sld [smem:$0x3FB0]  }
0x29: {  	s4 =	sld [smem:$0x3FB2]  }
0x2a: {  	p0 =	seq.s32 s5, $0x0;
	s5 =	sld [smem:$0x3FB3]  }
0x2b: {  	s6 =	sld [smem:$0x3FB4]  }
0x2c: {  	s7 =	sld [smem:$0x3FB5]  }
0x2d: {  	s3 =	simm.s32 $0x108;
	s8 =	sld [smem:$0x3FB6]  }
0x2e: {  	s3 =	simm.s32 @!p0 $0x1082;
	s9 =	sld [smem:$0x3FB7]  }
0x2f: {  	lr =	sadd.s32 s0, s3;
	s0 =	sld [smem:$0x3FAE]  }
0x30: {  	s3 =	sld [smem:$0x3FB1]  }
0x31: {  	[smem:$0x3FBA] =	sst s10  }
0x32: {  	s10 =	sld [smem:$0x3FB8];
	_ =	sdelay $0x3  }
0x33: {  	p0 =	seq.s32 s10, $0x1;
	s10 =	sld [smem:$0x3FBA];
	_ =	sdelay $0x3  }
0x34: {  	[smem:$0x3FBA] =	sst s10  }
0x35: {  	s10 =	sld [smem:$0x3FB9];
	_ =	sdelay $0x3  }
0x36: {  	p1 =	seq.s32 s10, $0x1;
	s10 =	sld [smem:$0x3FBA];
	_ =	sdelay $0x3  }
0x37: {  	[smem:$0x3FBA] =	sst s10  }
0x38: {  	s10 =	sld [smem:$0x3FBB]  }
0x39: {  	_ = 	snop;
	(pc) =	sbr.ind lr, $3  }
0x3a: {  	_ = 	snop  }
0x3b: {  	_ = 	snop  }
0x3c: {  	p2 =	seq.s32 s10, $0x1;
	s10 =	sld [smem:$0x3FBA]  }
0x3d: {  	_ =	shalt  }
0x3e: {  	_ =	shalt  }
0x3f: {  	_ =	shalt  }
0x40: {  	_ =	shalt  }
0x41: {  	_ =	shalt  }
0x42: {  	_ =	shalt  }
0x43: {  	_ =	shalt  }
0x44: {  	_ =	shalt  }
0x45: {  	_ =	shalt  }
0x46: {  	_ =	shalt  }
0x47: {  	_ =	shalt  }
0x48: {  	_ =	shalt  }
0x49: {  	_ =	shalt  }
0x4a: {  	_ =	shalt  }
0x4b: {  	_ =	shalt  }
0x4c: {  	_ =	shalt  }
0x4d: {  	_ =	shalt  }
0x4e: {  	_ =	shalt  }
0x4f: {  	_ =	shalt  }
0x50: {  	_ =	shalt  }
0x51: {  	_ =	shalt  }
0x52: {  	_ =	shalt  }
0x53: {  	_ =	shalt  }
0x54: {  	_ =	shalt  }
0x55: {  	_ =	shalt  }
0x56: {  	_ =	shalt  }
0x57: {  	_ =	shalt  }
0x58: {  	_ =	shalt  }
0x59: {  	_ =	shalt  }
0x5a: {  	_ =	shalt  }
0x5b: {  	_ =	shalt  }
0x5c: {  	_ =	shalt  }
0x5d: {  	_ =	shalt  }
0x5e: {  	_ =	shalt  }
0x5f: {  	_ =	shalt  }
0x60: {  	_ =	shalt  }
0x61: {  	_ =	shalt  }
0x62: {  	_ =	shalt  }
0x63: {  	_ =	shalt  }
0x64: {  	_ =	shalt  }
0x65: {  	_ =	shalt  }
0x66: {  	_ =	shalt  }
0x67: {  	_ =	shalt  }
0x68: {  	_ =	shalt  }
0x69: {  	_ =	shalt  }
0x6a: {  	_ =	shalt  }
0x6b: {  	_ =	shalt  }
0x6c: {  	_ =	shalt  }
0x6d: {  	_ =	shalt  }
0x6e: {  	_ =	shalt  }
0x6f: {  	_ =	shalt  }
0x70: {  	_ =	shalt  }
0x71: {  	_ =	shalt  }
0x72: {  	_ =	shalt  }
0x73: {  	_ =	shalt  }
0x74: {  	_ =	shalt  }
0x75: {  	_ =	shalt  }
0x76: {  	_ =	shalt  }
0x77: {  	_ =	shalt  }
0x78: {  	_ =	shalt  }
0x79: {  	_ =	shalt  }
0x7a: {  	_ =	shalt  }
0x7b: {  	_ =	shalt  }
0x7c: {  	_ =	shalt  }
0x7d: {  	_ =	shalt  }
0x7e: {  	_ =	shalt  }
0x7f: {  	_ =	shalt  }
0x80: {  	_ =	shalt  }
0x81: {  	_ =	shalt  }
0x82: {  	_ =	shalt  }
0x83: {  	_ =	shalt  }
0x84: {  	_ =	shalt  }
0x85: {  	_ =	shalt  }
0x86: {  	_ =	shalt  }
0x87: {  	_ =	shalt  }
.Lfunc_end0:
.L_simem_size_0:
called_computation_lowered:
.L_overlay_start_0:
0x88: {  	s2 =	sld [smem:$0x3FD9]  }
0x89: {  	s3 =	sld [smem:$0x3FFE];
	_ =	sdelay $0x1  }
0x8a: {  	s1 =	srdreg.scid  }
0x8b: {  	s0 =	sand.u32 $0x1, s1  }
0x8c: {  	s17 =	sshll.u32 s0, $0xA;
	s2 =	sadd.s32 s3, s2  }
0x8d: {  	s2 =	sadd.s32 s2, s17  }
0x8e: {  	[smem:$0x3FC6] =	sst s2  }
0x8f: {  	_ = 	snop  }
0x90: {  	s2 =	sld [smem:$0x3FC8]  }
0x91: {  	s18 =	sld [smem:$0x3FD0];
	(tm) =	ssettm $0x1  }
0x92: {  	s4 =	sld [smem:$0x3FFB];
	_ =	sdelay $0x3  }
0x93: {  	_ =	strace s4  }
0x94: {  	s4 =	sld [smem:$0x3FFC];
	_ =	sdelay $0x3  }
0x95: {  	_ =	strace s4  }
0x96: {  	s4 =	sld [smem:$0x3FFD];
	_ =	sdelay $0x3  }
0x97: {  	_ =	strace s4  }
0x98: {  	_ =	strace $0x8FFFFFFF  }
0x99: {  	s19 =	sld [smem:$0x3FDB];
	_ =	sdelay $0x1  }
0x9a: {  	s5 =	simm.s32 $_scs_section_size  }
0x9b: {  	s6 =	simm.s32 $_size__tile_overlayer_lowered;
	s7 =	simm.s32 $_tile_overlayer_lowered  }
0x9c: {  	s22 =	simm.s32 $0x1BFF;
	s21 =	sshll.u32 s7, $0x1;
	s4 =	sadd.s32 s5, s19  }
0x9d: {  	s8 =	simm.s32 $0x0;
	s20 =	sshll.u32 s6, $0x1;
	s6 =	sadd.s32 s21, s4  }
0x9e: {  	[timem:s8], [sflag:s22] =	dma.local [hbm:s6], s20  }
0x9f: {  	_ =	swait.ge [sflag:s22], s20  }
0xa0: {  	s5 =	ssub.s32 $0x0, s20;
	[sflag:s22] =	ssyncset.done $0x0  }
0xa1: {  	[sflag:s22] =	ssyncadd.s32 s5;
	_ =	sdelay $0x1  }
0xa2: {  	s23 =	simm.s32 $0x1B8B  }
0xa3: {  	_ =	swait.ge [sflag:s23], $0x1  }
0xa4: {  	[sflag:s23] =	ssyncset.done $0x0  }
0xa5: {  	s25 =	simm.s32 $0x1B8E;
	s24 =	sld [smem:$0x3FFE];
	[sflag:s23] =	ssyncadd.s32 $0xFFFFFFFF  }
0xa6: {  	s26 =	simm.s32 $execute0_lowered;
	[smem:$0x3FD2] =	sst s25  }
0xa7: {  	s6 =	sshll.u32 s26, $0x1;
	_ =	strace $0x80000046;
	[dreg:$0x1] =	wrdreg $0xFFFFFFFF  }
0xa8: {  	s28 =	simm.s32 $_size_execute0_lowered;
	s4 =	sadd.s32 s4, s6;
	[dreg:$0x0] =	wrdreg $0x0  }
0xa9: {  	s6 =	sshll.u32 s28, $0x1;
	[dreg:$0x2] =	wrdreg s4  }
0xaa: {  	[dreg:$0x3] =	wrdreg s6  }
0xab: {  	[dreg:$0x4] =	wrdreg $0xC0  }
0xac: {  	_ =	task [dreg:s8], $0x5FFFF  }
0xad: {  	[dreg:$0x1] =	wrdreg $0xFFFFFFFF  }
0xae: {  	[dreg:$0x0] =	wrdreg $0x60  }
0xaf: {  	[dreg:$0x2] =	wrdreg s24  }
0xb0: {  	[dreg:$0x3] =	wrdreg s2  }
0xb1: {  	[dreg:$0x4] =	wrdreg s18  }
0xb2: {  	[dreg:$0x5] =	wrdreg $0x9  }
0xb3: {  	_ =	task.clear_ibuf [dreg:s8], $0x6FFFF;
	_ =	strace $0x90000046  }
0xb4: {  	s29 =	simm.s32 $0x9;
	_ =	strace $0x80000048  }
0xb5: {  	_ =	swait.ge [sflag:s29], $0x1  }
0xb6: {  	[sflag:s29] =	ssyncadd.s32 $0xFFFFFFFF  }
0xb7: {  	_ =	strace $0x90000048  }
0xb8: {  	_ =	sfence  }
0xb9: {  	s30 =	sld [smem:$0x0];
	_ =	sdelay $0x2  }
0xba: {  	s31 =	sshll.u32 s1, $0xD;
	s1 =	sshrl.u32 s1, $0x2  }
0xbb: {  	s3 =	sand.u32 $0x4000, s31;
	s1 =	sadd.s32 s1, s30  }
0xbc: {  	s0 =	sor.u32 s3, s0;
	s1 =	sshll.u32 s1, $0x11  }
0xbd: {  	s0 =	sor.u32 s1, s0  }
0xbe: {  	s0 =	sadd.s32 $0x8F2B, s0  }
0xbf: {  	[sflag:s0] =	ssyncadd.remote.s32 $0x1  }
0xc0: {  	_ =	sfence.sel $0xFFFF  }
0xc1: {  	[dreg:$0x0] =	wrdreg $0xFFFFFFFF;
	(pc) =	sbr.abs _section_cstart, $3  }
0xc2: {  	[dreg:$0x1] =	wrdreg $0xFFFFFFFF  }
0xc3: {  	_ =	task.clear_ibuf [dreg:s8], $0x2FFFF;
	_ =	strace $0x9FFFFFFF  }
0xc4: {  	(tm) =	ssettm $0x7FFFFFFF  }
0xc5: {  	_ =	shalt  }
tec
execute0_lowered:
.L_overlay_start_1:
0x0: {  	(tag) =	ssettag $0x1  }
0x1: {  	s0 =	rddreg [dreg:$0x0]  }
0x2: {  	s1 =	srdreg.scid;
	s2 =	rddreg [dreg:$0x1]  }
0x3: {  	s10 =	stileid.u32;
	s4 =	rddreg [dreg:$0x2]  }
0x4: {  	s12 =	simm.s32 $0x1900;
	s29 =	simm.s32 $0x19900;
	s17 =	simm.s32 $0x1A100  }
0x5: {  	s30 =	simm.s32 $0x1A900;
	s18 =	simm.s32 $0x1B100;
	s31 =	simm.s32 $0x1B900  }
0x6: {  	s19 =	simm.s32 $0x1C100;
	s20 =	simm.s32 $0x1D100;
	s21 =	simm.s32 $0x1E100  }
0x7: {  	s22 =	simm.s32 $0x1F100;
	s11 =	simm.s32 $0x3;
	s13 =	simm.s32 $0x4  }
0x8: {  	s14 =	simm.s32 $0x6;
	s1 =	sand.u32 $0x1, s1;
	s3 =	sshll.u32 s10, $0x1  }
0x9: {  	s16 =	simm.s32 $0x0;
	s25 =	smul.u32 $0x190000, s10;
	s5 =	sor.u32 s1, s3  }
0xa: {  	s3 =	simm.s32 $0x0;
	s7 =	ssub.s32 $0x2, s1;
	s1 =	smul.u32 $0xC8000, s1  }
0xb: {  	s6 =	smul.u32 $0x1900, s5;
	[smem:$0x7FF] =	sst s3;
	s23 =	sshrl.u32 s7, $0x1  }
0xc: {  	s8 =	smul.u32 $0x640000, s5;
	s5 =	sadd.s32 $0x100, s2;
	s28 =	sadd.s32 s25, s4  }
0xd: {  	s25 =	simm.s32 $0x5;
	_ =	strace $0x80000047;
	s9 =	ssub.s32 s7, s23  }
0xe: {  	s7 =	sadd.s32 $0x300, s2;
	s10 =	sadd.s32 s1, s28;
	s1 =	simm.s32 $0x1C900  }
0xf: {  	s23 =	simm.s32 $0x2;
	s6 =	sshrl.u32 s6, $0x3;
	s24 =	sshrl.u32 s8, $0x3  }
.Ltmp0:
0x10: {  	s26 =	smax.u32 s9, $0x1;
	s0 =	sadd.s32 s6, s0;
	(pc) =	sbr.rel .LBB2_1-.Ltmp0, $4  }
0x11: {  	s8 =	simm.s32 $0x1E900;
	s9 =	simm.s32 $0x1;
	s0 =	sadd.s32 $0x400, s0  }
0x12: {  	v2 =	vlaneseq.u32;
	s6 =	sadd.s32 $0x200, s2;
	[dreg:$0x4] =	wrdreg s0;
	s0 =	sadd.s32 s4, s24  }
0x13: {  	vm0 =	vmmov $0xffff;
	v1 =	vshrl.u32 v2, $0x3;
	[dreg:$0x6] =	wrdreg s26;
	s24 =	simm.s32 $0x15900;
	s0 =	sadd.s32 $0xC6C00, s0  }
0x14: {  	v0 =	vand.u32 $0x7, v2;
	v2 =	vor.u32 $0x8, v2;
	v1 =	vmul.u32 $0x8, v1;
	s4 =	simm.s32 $0x1D900;
	[dreg:$0x5] =	wrdreg s0;
	s0 =	simm.s32 $0xB900  }
.LBB2_4:
0x15: {  	_ =	swait.ge [sflag:s9], $0xA000  }
0x16: {  	[sflag:s9] =	ssyncset.done $0x0  }
0x17: {  	s15 =	rddreg [dreg:$0x5];
	[sflag:s9] =	ssyncadd.s32 $0xFFFF6000  }
0x18: {  	[hbm4b:s15+s3] =	stream.linear.scatter [tilespmem:s12], [sflag:$0x4], $0xA000, $0x38;
	[tilespmem:$0x1F900] =	vst v63  }
0x19: {  	_ =	swait.ge [sflag:s13], $0xA000  }
0x1a: {  	[sflag:s13] =	ssyncset.done $0x0  }
0x1b: {  	[sflag:s13] =	ssyncadd.s32 $0xFFFF6000  }
0x1c: {  	_ =	swait.ge [sflag:s25], $0xA000  }
0x1d: {  	[sflag:s25] =	ssyncset.done $0x0  }
0x1e: {  	[sflag:s25] =	ssyncadd.s32 $0xFFFF6000  }
0x1f: {  	_ =	swait.ge [sflag:s14], $0xA000  }
0x20: {  	s16 =	rddreg [dreg:$0x7]  }
0x21: {  	s28 =	rddreg [dreg:$0x6];
	s16 =	sadd.s32 $0x1, s16  }
0x22: {  	p0 =	sne.s32 s16, s28  }
.Ltmp1:
0x23: {  	_ = 	snop;
	(pc) =	sbr.rel @!p0 .LBB2_5-.Ltmp1, $3  }
0x24: {  	_ =	sdelay $0x1  }
0x25: {  	[sflag:s14] =	ssyncset.done $0x0  }
0x26: {  	[sflag:s14] =	ssyncadd.s32 $0xFFFF6000  }
.LBB2_1:
0x27: {  	[dreg:$0x7] =	wrdreg s16  }
0x28: {  	s15 =	rddreg [dreg:$0x4];
	s28 =	simm.s32 $0x7  }
0x29: {  	[tilespmem:s3], [sflag:$0x7] =	stream.linear.gather [hbm4b:s15+s3], $0x1900, $0x38;
	[tilespmem:$0x1F900] =	vst v63  }
0x2a: {  	_ =	swait.ge [sflag:s28], $0x1900  }
0x2b: {  	[sflag:s28] =	ssyncset.done $0x0  }
0x2c: {  	[sflag:s28] =	ssyncadd.s32 $0xFFFFE700  }
0x2d: {  	v3 =	vld [tilespmem:$0x0];
	_ =	sdelay $0x4  }
0x2e: {  	v4 =	vshll.u32 v3, $0x3  }
0x2f: {  	v3 =	vand.u32 $0x7, v3;
	v4 =	vand.u32 $0xFFFFFFC0, v4  }
0x30: {  	v3 =	vor.u32 v3, v4  }
0x31: {  	v4 =	vperm.xlane v3, v0;
	_ =	sdelay $0x1  }
0x32: {  	v4 =	vadd.s32 v1, v4;
	_ =	sdelay $0x4  }
0x33: {  	[tilespmem:s12], [sflag:$0x1] =	stream.indirect_vreg.gather [hbm4b:s2+s3], $0x80, v4, vm0, $0xb8;
	[tilespmem:$0x1F900] =	vst v63  }
0x34: {  	s16 =	simm.s32 $0x2100;
	v3 =	vperm.xlane v3, v2  }
0x35: {  	[tilespmem:s16], [sflag:$0x1] =	stream.indirect_vreg.gather [hbm4b:s5+s3], $0x80, v4, vm0, $0xb8;
	[tilespmem:$0x1F900] =	vst v63  }
0x36: {  	s26 =	simm.s32 $0x2900;
	v3 =	vadd.s32 v1, v3  }
0x37: {  	[tilespmem:s26], [sflag:$0x1] =	stream.indirect_vreg.gather [hbm4b:s6+s3], $0x80, v4, vm0, $0xb8;
	[tilespmem:$0x1F900] =	vst v63  }
0x38: {  	s28 =	simm.s32 $0x3100  }
0x39: {  	[tilespmem:s28], [sflag:$0x1] =	stream.indirect_vreg.gather [hbm4b:s7+s3], $0x80, v4, vm0, $0xb8;
	[tilespmem:$0x1F900] =	vst v63  }
0x3a: {  	s16 =	simm.s32 $0x3900  }
0x3b: {  	[tilespmem:s16], [sflag:$0x1] =	stream.indirect_vreg.gather [hbm4b:s2+s3], $0x80, v3, vm0, $0xb8;
	[tilespmem:$0x1F900] =	vst v63  }
0x3c: {  	s26 =	simm.s32 $0x4100  }
0x3d: {  	[tilespmem:s26], [sflag:$0x1] =	stream.indirect_vreg.gather [hbm4b:s5+s3], $0x80, v3, vm0, $0xb8;
	[tilespmem:$0x1F900] =	vst v63  }
0x3e: {  	s28 =	simm.s32 $0x4900  }
0x3f: {  	[tilespmem:s28], [sflag:$0x1] =	stream.indirect_vreg.gather [hbm4b:s6+s3], $0x80, v3, vm0, $0xb8;
	[tilespmem:$0x1F900] =	vst v63  }
0x40: {  	s16 =	simm.s32 $0x5100  }
0x41: {  	[tilespmem:s16], [sflag:$0x1] =	stream.indirect_vreg.gather [hbm4b:s7+s3], $0x80, v3, vm0, $0xb8;
	[tilespmem:$0x1F900] =	vst v63  }
0x42: {  	v3 =	vld [tilespmem:$0x10];
	_ =	sdelay $0x4  }
0x43: {  	v56 =	vshll.u32 v3, $0x3  }
0x44: {  	v3 =	vand.u32 $0x7, v3;
	v4 =	vand.u32 $0xFFFFFFC0, v56  }
0x45: {  	v3 =	vor.u32 v3, v4  }
0x46: {  	v4 =	vperm.xlane v3, v0;
	_ =	sdelay $0x1  }
0x47: {  	v4 =	vadd.s32 v1, v4;
	_ =	sdelay $0x3  }
0x48: {  	s26 =	simm.s32 $0x5900  }
0x49: {  	[tilespmem:s26], [sflag:$0x1] =	stream.indirect_vreg.gather [hbm4b:s2+s3], $0x80, v4, vm0, $0xb8;
	[tilespmem:$0x1F900] =	vst v63  }
0x4a: {  	s28 =	simm.s32 $0x6100;
	v3 =	vperm.xlane v3, v2  }
0x4b: {  	[tilespmem:s28], [sflag:$0x1] =	stream.indirect_vreg.gather [hbm4b:s5+s3], $0x80, v4, vm0, $0xb8;
	[tilespmem:$0x1F900] =	vst v63  }
0x4c: {  	s16 =	simm.s32 $0x6900;
	v3 =	vadd.s32 v1, v3  }
0x4d: {  	[tilespmem:s16], [sflag:$0x1] =	stream.indirect_vreg.gather [hbm4b:s6+s3], $0x80, v4, vm0, $0xb8;
	[tilespmem:$0x1F900] =	vst v63  }
0x4e: {  	s26 =	simm.s32 $0x7100  }
0x4f: {  	[tilespmem:s26], [sflag:$0x1] =	stream.indirect_vreg.gather [hbm4b:s7+s3], $0x80, v4, vm0, $0xb8;
	[tilespmem:$0x1F900] =	vst v63  }
0x50: {  	s28 =	simm.s32 $0x7900  }
0x51: {  	[tilespmem:s28], [sflag:$0x1] =	stream.indirect_vreg.gather [hbm4b:s2+s3], $0x80, v3, vm0, $0xb8;
	[tilespmem:$0x1F900] =	vst v63  }
0x52: {  	s16 =	simm.s32 $0x8100  }
0x53: {  	[tilespmem:s16], [sflag:$0x1] =	stream.indirect_vreg.gather [hbm4b:s5+s3], $0x80, v3, vm0, $0xb8;
	[tilespmem:$0x1F900] =	vst v63  }
0x54: {  	s26 =	simm.s32 $0x8900  }
0x55: {  	[tilespmem:s26], [sflag:$0x1] =	stream.indirect_vreg.gather [hbm4b:s6+s3], $0x80, v3, vm0, $0xb8;
	[tilespmem:$0x1F900] =	vst v63  }
0x56: {  	s28 =	simm.s32 $0x9100  }
0x57: {  	[tilespmem:s28], [sflag:$0x1] =	stream.indirect_vreg.gather [hbm4b:s7+s3], $0x80, v3, vm0, $0xb8;
	[tilespmem:$0x1F900] =	vst v63  }
0x58: {  	v3 =	vld.msk [tilespmem:$0x20], $0xff;
	_ =	sdelay $0x4  }
0x59: {  	v57 =	vshll.u32 v3, $0x3  }
0x5a: {  	v3 =	vand.u32 $0x7, v3;
	v4 =	vand.u32 $0xFFFFFFC0, v57  }
0x5b: {  	v3 =	vor.u32 v3, v4  }
0x5c: {  	v3 =	vperm.xlane v3, v0;
	_ =	sdelay $0x1  }
0x5d: {  	v3 =	vadd.s32 v1, v3;
	_ =	sdelay $0x3  }
0x5e: {  	s16 =	simm.s32 $0x9900  }
0x5f: {  	[tilespmem:s16], [sflag:$0x1] =	stream.indirect_vreg.gather [hbm4b:s2+s3], $0x80, v3, vm0, $0xb8;
	[tilespmem:$0x1F900] =	vst v63  }
0x60: {  	s26 =	simm.s32 $0xA100  }
0x61: {  	[tilespmem:s26], [sflag:$0x1] =	stream.indirect_vreg.gather [hbm4b:s5+s3], $0x80, v3, vm0, $0xb8;
	[tilespmem:$0x1F900] =	vst v63  }
0x62: {  	s28 =	simm.s32 $0xA900  }
0x63: {  	[tilespmem:s28], [sflag:$0x1] =	stream.indirect_vreg.gather [hbm4b:s6+s3], $0x80, v3, vm0, $0xb8;
	[tilespmem:$0x1F900] =	vst v63  }
0x64: {  	s16 =	simm.s32 $0xB100  }
0x65: {  	[tilespmem:s16], [sflag:$0x1] =	stream.indirect_vreg.gather [hbm4b:s7+s3], $0x80, v3, vm0, $0xb8;
	[tilespmem:$0x1F900] =	vst v63  }
0x66: {  	v3 =	vld [tilespmem:$0x28];
	_ =	sdelay $0x4  }
0x67: {  	v58 =	vshll.u32 v3, $0x3  }
0x68: {  	v3 =	vand.u32 $0x7, v3;
	v4 =	vand.u32 $0xFFFFFFC0, v58  }
0x69: {  	v3 =	vor.u32 v3, v4  }
0x6a: {  	v4 =	vperm.xlane v3, v0;
	_ =	sdelay $0x1  }
0x6b: {  	v4 =	vadd.s32 v1, v4;
	_ =	sdelay $0x4  }
0x6c: {  	[tilespmem:s0], [sflag:$0x2] =	stream.indirect_vreg.gather [hbm4b:s2+s3], $0x80, v4, vm0, $0xb8;
	[tilespmem:$0x1F900] =	vst v63  }
0x6d: {  	s26 =	simm.s32 $0xC100;
	v3 =	vperm.xlane v3, v2  }
0x6e: {  	[tilespmem:s26], [sflag:$0x2] =	stream.indirect_vreg.gather [hbm4b:s5+s3], $0x80, v4, vm0, $0xb8;
	[tilespmem:$0x1F900] =	vst v63  }
0x6f: {  	s28 =	simm.s32 $0xC900;
	v3 =	vadd.s32 v1, v3  }
0x70: {  	[tilespmem:s28], [sflag:$0x2] =	stream.indirect_vreg.gather [hbm4b:s6+s3], $0x80, v4, vm0, $0xb8;
	[tilespmem:$0x1F900] =	vst v63  }
0x71: {  	s16 =	simm.s32 $0xD100  }
0x72: {  	[tilespmem:s16], [sflag:$0x2] =	stream.indirect_vreg.gather [hbm4b:s7+s3], $0x80, v4, vm0, $0xb8;
	[tilespmem:$0x1F900] =	vst v63  }
0x73: {  	s26 =	simm.s32 $0xD900  }
0x74: {  	[tilespmem:s26], [sflag:$0x2] =	stream.indirect_vreg.gather [hbm4b:s2+s3], $0x80, v3, vm0, $0xb8;
	[tilespmem:$0x1F900] =	vst v63  }
0x75: {  	s28 =	simm.s32 $0xE100  }
0x76: {  	[tilespmem:s28], [sflag:$0x2] =	stream.indirect_vreg.gather [hbm4b:s5+s3], $0x80, v3, vm0, $0xb8;
	[tilespmem:$0x1F900] =	vst v63  }
0x77: {  	s16 =	simm.s32 $0xE900  }
0x78: {  	[tilespmem:s16], [sflag:$0x2] =	stream.indirect_vreg.gather [hbm4b:s6+s3], $0x80, v3, vm0, $0xb8;
	[tilespmem:$0x1F900] =	vst v63  }
0x79: {  	s26 =	simm.s32 $0xF100  }
0x7a: {  	[tilespmem:s26], [sflag:$0x2] =	stream.indirect_vreg.gather [hbm4b:s7+s3], $0x80, v3, vm0, $0xb8;
	[tilespmem:$0x1F900] =	vst v63  }
0x7b: {  	v3 =	vld [tilespmem:$0x38];
	_ =	sdelay $0x4  }
0x7c: {  	v59 =	vshll.u32 v3, $0x3  }
0x7d: {  	v3 =	vand.u32 $0x7, v3;
	v4 =	vand.u32 $0xFFFFFFC0, v59  }
0x7e: {  	v3 =	vor.u32 v3, v4  }
0x7f: {  	v4 =	vperm.xlane v3, v0;
	_ =	sdelay $0x1  }
0x80: {  	v4 =	vadd.s32 v1, v4;
	_ =	sdelay $0x3  }
0x81: {  	s28 =	simm.s32 $0xF900  }
0x82: {  	[tilespmem:s28], [sflag:$0x2] =	stream.indirect_vreg.gather [hbm4b:s2+s3], $0x80, v4, vm0, $0xb8;
	[tilespmem:$0x1F900] =	vst v63  }
0x83: {  	s16 =	simm.s32 $0x10100;
	v3 =	vperm.xlane v3, v2  }
0x84: {  	[tilespmem:s16], [sflag:$0x2] =	stream.indirect_vreg.gather [hbm4b:s5+s3], $0x80, v4, vm0, $0xb8;
	[tilespmem:$0x1F900] =	vst v63  }
0x85: {  	s26 =	simm.s32 $0x10900;
	v3 =	vadd.s32 v1, v3  }
0x86: {  	[tilespmem:s26], [sflag:$0x2] =	stream.indirect_vreg.gather [hbm4b:s6+s3], $0x80, v4, vm0, $0xb8;
	[tilespmem:$0x1F900] =	vst v63  }
0x87: {  	s28 =	simm.s32 $0x11100  }
0x88: {  	[tilespmem:s28], [sflag:$0x2] =	stream.indirect_vreg.gather [hbm4b:s7+s3], $0x80, v4, vm0, $0xb8;
	[tilespmem:$0x1F900] =	vst v63  }
0x89: {  	s16 =	simm.s32 $0x11900  }
0x8a: {  	[tilespmem:s16], [sflag:$0x2] =	stream.indirect_vreg.gather [hbm4b:s2+s3], $0x80, v3, vm0, $0xb8;
	[tilespmem:$0x1F900] =	vst v63  }
0x8b: {  	s26 =	simm.s32 $0x12100  }
0x8c: {  	[tilespmem:s26], [sflag:$0x2] =	stream.indirect_vreg.gather [hbm4b:s5+s3], $0x80, v3, vm0, $0xb8;
	[tilespmem:$0x1F900] =	vst v63  }
0x8d: {  	s28 =	simm.s32 $0x12900  }
0x8e: {  	[tilespmem:s28], [sflag:$0x2] =	stream.indirect_vreg.gather [hbm4b:s6+s3], $0x80, v3, vm0, $0xb8;
	[tilespmem:$0x1F900] =	vst v63  }
0x8f: {  	s16 =	simm.s32 $0x13100  }
0x90: {  	[tilespmem:s16], [sflag:$0x2] =	stream.indirect_vreg.gather [hbm4b:s7+s3], $0x80, v3, vm0, $0xb8;
	[tilespmem:$0x1F900] =	vst v63  }
0x91: {  	v3 =	vld.msk [tilespmem:$0x48], $0xff;
	_ =	sdelay $0x4  }
0x92: {  	v60 =	vshll.u32 v3, $0x3  }
0x93: {  	v3 =	vand.u32 $0x7, v3;
	v4 =	vand.u32 $0xFFFFFFC0, v60  }
0x94: {  	v3 =	vor.u32 v3, v4  }
0x95: {  	v3 =	vperm.xlane v3, v0;
	_ =	sdelay $0x1  }
0x96: {  	v3 =	vadd.s32 v1, v3;
	_ =	sdelay $0x3  }
0x97: {  	s26 =	simm.s32 $0x13900  }
0x98: {  	[tilespmem:s26], [sflag:$0x2] =	stream.indirect_vreg.gather [hbm4b:s2+s3], $0x80, v3, vm0, $0xb8;
	[tilespmem:$0x1F900] =	vst v63  }
0x99: {  	s28 =	simm.s32 $0x14100  }
0x9a: {  	[tilespmem:s28], [sflag:$0x2] =	stream.indirect_vreg.gather [hbm4b:s5+s3], $0x80, v3, vm0, $0xb8;
	[tilespmem:$0x1F900] =	vst v63  }
0x9b: {  	s16 =	simm.s32 $0x14900  }
0x9c: {  	[tilespmem:s16], [sflag:$0x2] =	stream.indirect_vreg.gather [hbm4b:s6+s3], $0x80, v3, vm0, $0xb8;
	[tilespmem:$0x1F900] =	vst v63  }
0x9d: {  	s26 =	simm.s32 $0x15100  }
0x9e: {  	[tilespmem:s26], [sflag:$0x2] =	stream.indirect_vreg.gather [hbm4b:s7+s3], $0x80, v3, vm0, $0xb8;
	[tilespmem:$0x1F900] =	vst v63  }
0x9f: {  	v3 =	vld [tilespmem:$0x50];
	_ =	sdelay $0x4  }
0xa0: {  	v61 =	vshll.u32 v3, $0x3  }
0xa1: {  	v3 =	vand.u32 $0x7, v3;
	v4 =	vand.u32 $0xFFFFFFC0, v61  }
0xa2: {  	v3 =	vor.u32 v3, v4  }
0xa3: {  	v4 =	vperm.xlane v3, v0;
	_ =	sdelay $0x1  }
0xa4: {  	v4 =	vadd.s32 v1, v4;
	_ =	sdelay $0x4  }
0xa5: {  	[tilespmem:s24], [sflag:$0x3] =	stream.indirect_vreg.gather [hbm4b:s2+s3], $0x80, v4, vm0, $0xb8;
	[tilespmem:$0x1F900] =	vst v63  }
0xa6: {  	s28 =	simm.s32 $0x16100;
	v3 =	vperm.xlane v3, v2  }
0xa7: {  	[tilespmem:s28], [sflag:$0x3] =	stream.indirect_vreg.gather [hbm4b:s5+s3], $0x80, v4, vm0, $0xb8;
	[tilespmem:$0x1F900] =	vst v63  }
0xa8: {  	s16 =	simm.s32 $0x16900;
	v3 =	vadd.s32 v1, v3  }
0xa9: {  	[tilespmem:s16], [sflag:$0x3] =	stream.indirect_vreg.gather [hbm4b:s6+s3], $0x80, v4, vm0, $0xb8;
	[tilespmem:$0x1F900] =	vst v63  }
0xaa: {  	s26 =	simm.s32 $0x17100  }
0xab: {  	[tilespmem:s26], [sflag:$0x3] =	stream.indirect_vreg.gather [hbm4b:s7+s3], $0x80, v4, vm0, $0xb8;
	[tilespmem:$0x1F900] =	vst v63  }
0xac: {  	s28 =	simm.s32 $0x17900  }
0xad: {  	[tilespmem:s28], [sflag:$0x3] =	stream.indirect_vreg.gather [hbm4b:s2+s3], $0x80, v3, vm0, $0xb8;
	[tilespmem:$0x1F900] =	vst v63  }
0xae: {  	s16 =	simm.s32 $0x18100  }
0xaf: {  	[tilespmem:s16], [sflag:$0x3] =	stream.indirect_vreg.gather [hbm4b:s5+s3], $0x80, v3, vm0, $0xb8;
	[tilespmem:$0x1F900] =	vst v63  }
0xb0: {  	s26 =	simm.s32 $0x18900  }
0xb1: {  	[tilespmem:s26], [sflag:$0x3] =	stream.indirect_vreg.gather [hbm4b:s6+s3], $0x80, v3, vm0, $0xb8;
	[tilespmem:$0x1F900] =	vst v63  }
0xb2: {  	s28 =	simm.s32 $0x19100  }
0xb3: {  	[tilespmem:s28], [sflag:$0x3] =	stream.indirect_vreg.gather [hbm4b:s7+s3], $0x80, v3, vm0, $0xb8;
	[tilespmem:$0x1F900] =	vst v63  }
0xb4: {  	v3 =	vld [tilespmem:$0x60];
	_ =	sdelay $0x4  }
0xb5: {  	v62 =	vshll.u32 v3, $0x3  }
0xb6: {  	v3 =	vand.u32 $0x7, v3;
	v4 =	vand.u32 $0xFFFFFFC0, v62  }
0xb7: {  	v3 =	vor.u32 v3, v4  }
0xb8: {  	v4 =	vperm.xlane v3, v0;
	_ =	sdelay $0x1  }
0xb9: {  	v4 =	vadd.s32 v1, v4;
	_ =	sdelay $0x4  }
0xba: {  	[tilespmem:s29], [sflag:$0x3] =	stream.indirect_vreg.gather [hbm4b:s2+s3], $0x80, v4, vm0, $0xb8;
	[tilespmem:$0x1F900] =	vst v63  }
0xbb: {  	v3 =	vperm.xlane v3, v2  }
0xbc: {  	[tilespmem:s17], [sflag:$0x3] =	stream.indirect_vreg.gather [hbm4b:s5+s3], $0x80, v4, vm0, $0xb8;
	[tilespmem:$0x1F900] =	vst v63  }
0xbd: {  	v3 =	vadd.s32 v1, v3  }
0xbe: {  	[tilespmem:s30], [sflag:$0x3] =	stream.indirect_vreg.gather [hbm4b:s6+s3], $0x80, v4, vm0, $0xb8;
	[tilespmem:$0x1F900] =	vst v63  }
0xbf: {  	_ = 	snop  }
0xc0: {  	[tilespmem:s18], [sflag:$0x3] =	stream.indirect_vreg.gather [hbm4b:s7+s3], $0x80, v4, vm0, $0xb8;
	[tilespmem:$0x1F900] =	vst v63  }
0xc1: {  	_ = 	snop  }
0xc2: {  	[tilespmem:s31], [sflag:$0x3] =	stream.indirect_vreg.gather [hbm4b:s2+s3], $0x80, v3, vm0, $0xb8;
	[tilespmem:$0x1F900] =	vst v63  }
0xc3: {  	_ = 	snop  }
0xc4: {  	[tilespmem:s19], [sflag:$0x3] =	stream.indirect_vreg.gather [hbm4b:s5+s3], $0x80, v3, vm0, $0xb8;
	[tilespmem:$0x1F900] =	vst v63  }
0xc5: {  	_ = 	snop  }
0xc6: {  	[tilespmem:s1], [sflag:$0x3] =	stream.indirect_vreg.gather [hbm4b:s6+s3], $0x80, v3, vm0, $0xb8;
	[tilespmem:$0x1F900] =	vst v63  }
0xc7: {  	_ = 	snop  }
0xc8: {  	[tilespmem:s20], [sflag:$0x3] =	stream.indirect_vreg.gather [hbm4b:s7+s3], $0x80, v3, vm0, $0xb8;
	[tilespmem:$0x1F900] =	vst v63  }
0xc9: {  	v3 =	vld.msk [tilespmem:$0x70], $0xff;
	_ =	sdelay $0x4  }
0xca: {  	v63 =	vshll.u32 v3, $0x3  }
0xcb: {  	v3 =	vand.u32 $0x7, v3;
	v4 =	vand.u32 $0xFFFFFFC0, v63  }
0xcc: {  	v3 =	vor.u32 v3, v4  }
0xcd: {  	v3 =	vperm.xlane v3, v0;
	_ =	sdelay $0x1  }
0xce: {  	v3 =	vadd.s32 v1, v3;
	_ =	sdelay $0x4  }
0xcf: {  	[tilespmem:s4], [sflag:$0x3] =	stream.indirect_vreg.gather [hbm4b:s2+s3], $0x80, v3, vm0, $0xb8;
	[tilespmem:$0x1F900] =	vst v63  }
0xd0: {  	_ = 	snop  }
0xd1: {  	[tilespmem:s21], [sflag:$0x3] =	stream.indirect_vreg.gather [hbm4b:s5+s3], $0x80, v3, vm0, $0xb8;
	[tilespmem:$0x1F900] =	vst v63  }
0xd2: {  	_ = 	snop  }
0xd3: {  	[tilespmem:s8], [sflag:$0x3] =	stream.indirect_vreg.gather [hbm4b:s6+s3], $0x80, v3, vm0, $0xb8;
	[tilespmem:$0x1F900] =	vst v63  }
0xd4: {  	s15 =	simm.s32 $0x0;
	s26 =	simm.s32 $0xE8  }
0xd5: {  	[tilespmem:s22], [sflag:$0x3] =	stream.indirect_vreg.gather [hbm4b:s7+s3], $0x80, v3, vm0, $0xb8;
	[tilespmem:$0x1F900] =	vst v63  }
.LBB2_2:
0xd6: {  	_ =	swait.ge [sflag:s9], $0xA000  }
0xd7: {  	[sflag:s9] =	ssyncset.done $0x0  }
0xd8: {  	s28 =	sadd.s32 s15, s10;
	[sflag:s9] =	ssyncadd.s32 $0xFFFF6000  }
0xd9: {  	[hbm4b:s28+s3] =	stream.linear.scatter [tilespmem:s12], [sflag:$0x4], $0xA000, $0x38;
	[tilespmem:$0x1F900] =	vst v63  }
0xda: {  	_ =	swait.ge [sflag:s23], $0xA000  }
0xdb: {  	[sflag:s23] =	ssyncset.done $0x0  }
0xdc: {  	s16 =	sadd.s32 $0x1400, s28;
	[sflag:s23] =	ssyncadd.s32 $0xFFFF6000  }
0xdd: {  	[hbm4b:s16+s3] =	stream.linear.scatter [tilespmem:s0], [sflag:$0x5], $0xA000, $0x38;
	[tilespmem:$0x1F900] =	vst v63  }
0xde: {  	_ =	swait.ge [sflag:s11], $0xA000  }
0xdf: {  	[sflag:s11] =	ssyncset.done $0x0  }
0xe0: {  	s28 =	sadd.s32 $0x2800, s28;
	[sflag:s11] =	ssyncadd.s32 $0xFFFF6000  }
0xe1: {  	[hbm4b:s28+s3] =	stream.linear.scatter [tilespmem:s24], [sflag:$0x6], $0xA000, $0x38;
	[tilespmem:$0x1F900] =	vst v63  }
0xe2: {  	_ =	swait.ge [sflag:s13], $0xA000  }
0xe3: {  	[sflag:s13] =	ssyncset.done $0x0  }
0xe4: {  	[sflag:s13] =	ssyncadd.s32 $0xFFFF6000  }
0xe5: {  	v3 =	vld [tilespmem:s26+$0xFFFFFF90];
	_ =	sdelay $0x4  }
0xe6: {  	v4 =	vshll.u32 v3, $0x3  }
0xe7: {  	v3 =	vand.u32 $0x7, v3;
	v4 =	vand.u32 $0xFFFFFFC0, v4  }
0xe8: {  	v3 =	vor.u32 v3, v4  }
0xe9: {  	v4 =	vperm.xlane v3, v0;
	_ =	sdelay $0x1  }
0xea: {  	v4 =	vadd.s32 v1, v4;
	_ =	sdelay $0x4  }
0xeb: {  	[tilespmem:s12], [sflag:$0x1] =	stream.indirect_vreg.gather [hbm4b:s2+s3], $0x80, v4, vm0, $0xb8;
	[tilespmem:$0x1F900] =	vst v63  }
0xec: {  	s28 =	simm.s32 $0x2100;
	v3 =	vperm.xlane v3, v2  }
0xed: {  	[tilespmem:s28], [sflag:$0x1] =	stream.indirect_vreg.gather [hbm4b:s5+s3], $0x80, v4, vm0, $0xb8;
	[tilespmem:$0x1F900] =	vst v63  }
0xee: {  	v3 =	vadd.s32 v1, v3;
	s28 =	simm.s32 $0x2900  }
0xef: {  	[tilespmem:s28], [sflag:$0x1] =	stream.indirect_vreg.gather [hbm4b:s6+s3], $0x80, v4, vm0, $0xb8;
	[tilespmem:$0x1F900] =	vst v63  }
0xf0: {  	s28 =	simm.s32 $0x3100  }
0xf1: {  	[tilespmem:s28], [sflag:$0x1] =	stream.indirect_vreg.gather [hbm4b:s7+s3], $0x80, v4, vm0, $0xb8;
	[tilespmem:$0x1F900] =	vst v63  }
0xf2: {  	s28 =	simm.s32 $0x3900  }
0xf3: {  	[tilespmem:s28], [sflag:$0x1] =	stream.indirect_vreg.gather [hbm4b:s2+s3], $0x80, v3, vm0, $0xb8;
	[tilespmem:$0x1F900] =	vst v63  }
0xf4: {  	s28 =	simm.s32 $0x4100  }
0xf5: {  	[tilespmem:s28], [sflag:$0x1] =	stream.indirect_vreg.gather [hbm4b:s5+s3], $0x80, v3, vm0, $0xb8;
	[tilespmem:$0x1F900] =	vst v63  }
0xf6: {  	s28 =	simm.s32 $0x4900  }
0xf7: {  	[tilespmem:s28], [sflag:$0x1] =	stream.indirect_vreg.gather [hbm4b:s6+s3], $0x80, v3, vm0, $0xb8;
	[tilespmem:$0x1F900] =	vst v63  }
0xf8: {  	s28 =	simm.s32 $0x5100  }
0xf9: {  	[tilespmem:s28], [sflag:$0x1] =	stream.indirect_vreg.gather [hbm4b:s7+s3], $0x80, v3, vm0, $0xb8;
	[tilespmem:$0x1F900] =	vst v63  }
0xfa: {  	v3 =	vld [tilespmem:s26+$0xFFFFFFA0];
	_ =	sdelay $0x4  }
0xfb: {  	v62 =	vshll.u32 v3, $0x3  }
0xfc: {  	v3 =	vand.u32 $0x7, v3;
	v4 =	vand.u32 $0xFFFFFFC0, v62  }
0xfd: {  	v3 =	vor.u32 v3, v4  }
0xfe: {  	v4 =	vperm.xlane v3, v0;
	_ =	sdelay $0x1  }
0xff: {  	v4 =	vadd.s32 v1, v4;
	_ =	sdelay $0x3  }
0x100: {  	s28 =	simm.s32 $0x5900  }
0x101: {  	[tilespmem:s28], [sflag:$0x1] =	stream.indirect_vreg.gather [hbm4b:s2+s3], $0x80, v4, vm0, $0xb8;
	[tilespmem:$0x1F900] =	vst v63  }
0x102: {  	v3 =	vperm.xlane v3, v2;
	s28 =	simm.s32 $0x6100  }
0x103: {  	[tilespmem:s28], [sflag:$0x1] =	stream.indirect_vreg.gather [hbm4b:s5+s3], $0x80, v4, vm0, $0xb8;
	[tilespmem:$0x1F900] =	vst v63  }
0x104: {  	v3 =	vadd.s32 v1, v3;
	s28 =	simm.s32 $0x6900  }
0x105: {  	[tilespmem:s28], [sflag:$0x1] =	stream.indirect_vreg.gather [hbm4b:s6+s3], $0x80, v4, vm0, $0xb8;
	[tilespmem:$0x1F900] =	vst v63  }
0x106: {  	s28 =	simm.s32 $0x7100  }
0x107: {  	[tilespmem:s28], [sflag:$0x1] =	stream.indirect_vreg.gather [hbm4b:s7+s3], $0x80, v4, vm0, $0xb8;
	[tilespmem:$0x1F900] =	vst v63  }
0x108: {  	s28 =	simm.s32 $0x7900  }
0x109: {  	[tilespmem:s28], [sflag:$0x1] =	stream.indirect_vreg.gather [hbm4b:s2+s3], $0x80, v3, vm0, $0xb8;
	[tilespmem:$0x1F900] =	vst v63  }
0x10a: {  	s28 =	simm.s32 $0x8100  }
0x10b: {  	[tilespmem:s28], [sflag:$0x1] =	stream.indirect_vreg.gather [hbm4b:s5+s3], $0x80, v3, vm0, $0xb8;
	[tilespmem:$0x1F900] =	vst v63  }
0x10c: {  	s28 =	simm.s32 $0x8900  }
0x10d: {  	[tilespmem:s28], [sflag:$0x1] =	stream.indirect_vreg.gather [hbm4b:s6+s3], $0x80, v3, vm0, $0xb8;
	[tilespmem:$0x1F900] =	vst v63  }
0x10e: {  	s28 =	simm.s32 $0x9100  }
0x10f: {  	[tilespmem:s28], [sflag:$0x1] =	stream.indirect_vreg.gather [hbm4b:s7+s3], $0x80, v3, vm0, $0xb8;
	[tilespmem:$0x1F900] =	vst v63  }
0x110: {  	v3 =	vld.msk [tilespmem:s26+$0xFFFFFFB0], $0xff;
	_ =	sdelay $0x4  }
0x111: {  	v63 =	vshll.u32 v3, $0x3  }
0x112: {  	v3 =	vand.u32 $0x7, v3;
	v4 =	vand.u32 $0xFFFFFFC0, v63  }
0x113: {  	v3 =	vor.u32 v3, v4  }
0x114: {  	v3 =	vperm.xlane v3, v0;
	_ =	sdelay $0x1  }
0x115: {  	v3 =	vadd.s32 v1, v3;
	_ =	sdelay $0x3  }
0x116: {  	s28 =	simm.s32 $0x9900  }
0x117: {  	[tilespmem:s28], [sflag:$0x1] =	stream.indirect_vreg.gather [hbm4b:s2+s3], $0x80, v3, vm0, $0xb8;
	[tilespmem:$0x1F900] =	vst v63  }
0x118: {  	p0 =	seq.s32 s15, $0xC3000;
	s28 =	simm.s32 $0xA100  }
0x119: {  	[tilespmem:s28], [sflag:$0x1] =	stream.indirect_vreg.gather [hbm4b:s5+s3], $0x80, v3, vm0, $0xb8;
	[tilespmem:$0x1F900] =	vst v63  }
.Ltmp2:
0x11a: {  	_ = 	snop;
	(pc) =	sbr.rel @p0 .LBB2_4-.Ltmp2, $4  }
0x11b: {  	s28 =	simm.s32 $0xA900  }
0x11c: {  	[tilespmem:s28], [sflag:$0x1] =	stream.indirect_vreg.gather [hbm4b:s6+s3], $0x80, v3, vm0, $0xb8;
	[tilespmem:$0x1F900] =	vst v63  }
0x11d: {  	s28 =	simm.s32 $0xB100  }
0x11e: {  	[tilespmem:s28], [sflag:$0x1] =	stream.indirect_vreg.gather [hbm4b:s7+s3], $0x80, v3, vm0, $0xb8;
	[tilespmem:$0x1F900] =	vst v63  }
0x11f: {  	_ =	swait.ge [sflag:s25], $0xA000  }
0x120: {  	[sflag:s25] =	ssyncset.done $0x0  }
0x121: {  	[sflag:s25] =	ssyncadd.s32 $0xFFFF6000  }
0x122: {  	v3 =	vld [tilespmem:s26+$0xFFFFFFB8];
	_ =	sdelay $0x4  }
0x123: {  	v4 =	vshll.u32 v3, $0x3  }
0x124: {  	v3 =	vand.u32 $0x7, v3;
	v4 =	vand.u32 $0xFFFFFFC0, v4  }
0x125: {  	v3 =	vor.u32 v3, v4  }
0x126: {  	v4 =	vperm.xlane v3, v0;
	_ =	sdelay $0x1  }
0x127: {  	v4 =	vadd.s32 v1, v4;
	_ =	sdelay $0x4  }
0x128: {  	[tilespmem:s0], [sflag:$0x2] =	stream.indirect_vreg.gather [hbm4b:s2+s3], $0x80, v4, vm0, $0xb8;
	[tilespmem:$0x1F900] =	vst v63  }
0x129: {  	s16 =	simm.s32 $0xC100;
	v3 =	vperm.xlane v3, v2  }
0x12a: {  	[tilespmem:s16], [sflag:$0x2] =	stream.indirect_vreg.gather [hbm4b:s5+s3], $0x80, v4, vm0, $0xb8;
	[tilespmem:$0x1F900] =	vst v63  }
0x12b: {  	s28 =	simm.s32 $0xC900;
	v3 =	vadd.s32 v1, v3  }
0x12c: {  	[tilespmem:s28], [sflag:$0x2] =	stream.indirect_vreg.gather [hbm4b:s6+s3], $0x80, v4, vm0, $0xb8;
	[tilespmem:$0x1F900] =	vst v63  }
0x12d: {  	s28 =	simm.s32 $0xD100  }
0x12e: {  	[tilespmem:s28], [sflag:$0x2] =	stream.indirect_vreg.gather [hbm4b:s7+s3], $0x80, v4, vm0, $0xb8;
	[tilespmem:$0x1F900] =	vst v63  }
0x12f: {  	s28 =	simm.s32 $0xD900  }
0x130: {  	[tilespmem:s28], [sflag:$0x2] =	stream.indirect_vreg.gather [hbm4b:s2+s3], $0x80, v3, vm0, $0xb8;
	[tilespmem:$0x1F900] =	vst v63  }
0x131: {  	s28 =	simm.s32 $0xE100  }
0x132: {  	[tilespmem:s28], [sflag:$0x2] =	stream.indirect_vreg.gather [hbm4b:s5+s3], $0x80, v3, vm0, $0xb8;
	[tilespmem:$0x1F900] =	vst v63  }
0x133: {  	s28 =	simm.s32 $0xE900  }
0x134: {  	[tilespmem:s28], [sflag:$0x2] =	stream.indirect_vreg.gather [hbm4b:s6+s3], $0x80, v3, vm0, $0xb8;
	[tilespmem:$0x1F900] =	vst v63  }
0x135: {  	s28 =	simm.s32 $0xF100  }
0x136: {  	[tilespmem:s28], [sflag:$0x2] =	stream.indirect_vreg.gather [hbm4b:s7+s3], $0x80, v3, vm0, $0xb8;
	[tilespmem:$0x1F900] =	vst v63  }
0x137: {  	v3 =	vld [tilespmem:s26+$0xFFFFFFC8];
	_ =	sdelay $0x4  }
0x138: {  	v59 =	vshll.u32 v3, $0x3  }
0x139: {  	v3 =	vand.u32 $0x7, v3;
	v4 =	vand.u32 $0xFFFFFFC0, v59  }
0x13a: {  	v3 =	vor.u32 v3, v4  }
0x13b: {  	v4 =	vperm.xlane v3, v0;
	_ =	sdelay $0x1  }
0x13c: {  	v4 =	vadd.s32 v1, v4;
	_ =	sdelay $0x3  }
0x13d: {  	s28 =	simm.s32 $0xF900  }
0x13e: {  	[tilespmem:s28], [sflag:$0x2] =	stream.indirect_vreg.gather [hbm4b:s2+s3], $0x80, v4, vm0, $0xb8;
	[tilespmem:$0x1F900] =	vst v63  }
0x13f: {  	v3 =	vperm.xlane v3, v2;
	s28 =	simm.s32 $0x10100  }
0x140: {  	[tilespmem:s28], [sflag:$0x2] =	stream.indirect_vreg.gather [hbm4b:s5+s3], $0x80, v4, vm0, $0xb8;
	[tilespmem:$0x1F900] =	vst v63  }
0x141: {  	v3 =	vadd.s32 v1, v3;
	s28 =	simm.s32 $0x10900  }
0x142: {  	[tilespmem:s28], [sflag:$0x2] =	stream.indirect_vreg.gather [hbm4b:s6+s3], $0x80, v4, vm0, $0xb8;
	[tilespmem:$0x1F900] =	vst v63  }
0x143: {  	s28 =	simm.s32 $0x11100  }
0x144: {  	[tilespmem:s28], [sflag:$0x2] =	stream.indirect_vreg.gather [hbm4b:s7+s3], $0x80, v4, vm0, $0xb8;
	[tilespmem:$0x1F900] =	vst v63  }
0x145: {  	s28 =	simm.s32 $0x11900  }
0x146: {  	[tilespmem:s28], [sflag:$0x2] =	stream.indirect_vreg.gather [hbm4b:s2+s3], $0x80, v3, vm0, $0xb8;
	[tilespmem:$0x1F900] =	vst v63  }
0x147: {  	s28 =	simm.s32 $0x12100  }
0x148: {  	[tilespmem:s28], [sflag:$0x2] =	stream.indirect_vreg.gather [hbm4b:s5+s3], $0x80, v3, vm0, $0xb8;
	[tilespmem:$0x1F900] =	vst v63  }
0x149: {  	s28 =	simm.s32 $0x12900  }
0x14a: {  	[tilespmem:s28], [sflag:$0x2] =	stream.indirect_vreg.gather [hbm4b:s6+s3], $0x80, v3, vm0, $0xb8;
	[tilespmem:$0x1F900] =	vst v63  }
0x14b: {  	s28 =	simm.s32 $0x13100  }
0x14c: {  	[tilespmem:s28], [sflag:$0x2] =	stream.indirect_vreg.gather [hbm4b:s7+s3], $0x80, v3, vm0, $0xb8;
	[tilespmem:$0x1F900] =	vst v63  }
0x14d: {  	v3 =	vld.msk [tilespmem:s26+$0xFFFFFFD8], $0xff;
	_ =	sdelay $0x4  }
0x14e: {  	v60 =	vshll.u32 v3, $0x3  }
0x14f: {  	v3 =	vand.u32 $0x7, v3;
	v4 =	vand.u32 $0xFFFFFFC0, v60  }
0x150: {  	v3 =	vor.u32 v3, v4  }
0x151: {  	v3 =	vperm.xlane v3, v0;
	_ =	sdelay $0x1  }
0x152: {  	v3 =	vadd.s32 v1, v3;
	_ =	sdelay $0x3  }
0x153: {  	s28 =	simm.s32 $0x13900  }
0x154: {  	[tilespmem:s28], [sflag:$0x2] =	stream.indirect_vreg.gather [hbm4b:s2+s3], $0x80, v3, vm0, $0xb8;
	[tilespmem:$0x1F900] =	vst v63  }
0x155: {  	s28 =	simm.s32 $0x14100  }
0x156: {  	[tilespmem:s28], [sflag:$0x2] =	stream.indirect_vreg.gather [hbm4b:s5+s3], $0x80, v3, vm0, $0xb8;
	[tilespmem:$0x1F900] =	vst v63  }
0x157: {  	s28 =	simm.s32 $0x14900  }
0x158: {  	[tilespmem:s28], [sflag:$0x2] =	stream.indirect_vreg.gather [hbm4b:s6+s3], $0x80, v3, vm0, $0xb8;
	[tilespmem:$0x1F900] =	vst v63  }
0x159: {  	s28 =	simm.s32 $0x15100  }
0x15a: {  	[tilespmem:s28], [sflag:$0x2] =	stream.indirect_vreg.gather [hbm4b:s7+s3], $0x80, v3, vm0, $0xb8;
	[tilespmem:$0x1F900] =	vst v63  }
0x15b: {  	_ =	swait.ge [sflag:s14], $0xA000  }
0x15c: {  	[sflag:s14] =	ssyncset.done $0x0  }
0x15d: {  	[sflag:s14] =	ssyncadd.s32 $0xFFFF6000  }
0x15e: {  	v3 =	vld [tilespmem:s26+$0xFFFFFFE0];
	_ =	sdelay $0x4  }
0x15f: {  	v61 =	vshll.u32 v3, $0x3  }
0x160: {  	v3 =	vand.u32 $0x7, v3;
	v4 =	vand.u32 $0xFFFFFFC0, v61  }
0x161: {  	v3 =	vor.u32 v3, v4  }
0x162: {  	v4 =	vperm.xlane v3, v0;
	_ =	sdelay $0x1  }
0x163: {  	v4 =	vadd.s32 v1, v4;
	_ =	sdelay $0x4  }
0x164: {  	[tilespmem:s24], [sflag:$0x3] =	stream.indirect_vreg.gather [hbm4b:s2+s3], $0x80, v4, vm0, $0xb8;
	[tilespmem:$0x1F900] =	vst v63  }
0x165: {  	s28 =	simm.s32 $0x16100;
	v3 =	vperm.xlane v3, v2  }
0x166: {  	[tilespmem:s28], [sflag:$0x3] =	stream.indirect_vreg.gather [hbm4b:s5+s3], $0x80, v4, vm0, $0xb8;
	[tilespmem:$0x1F900] =	vst v63  }
0x167: {  	v3 =	vadd.s32 v1, v3;
	s28 =	simm.s32 $0x16900  }
0x168: {  	[tilespmem:s28], [sflag:$0x3] =	stream.indirect_vreg.gather [hbm4b:s6+s3], $0x80, v4, vm0, $0xb8;
	[tilespmem:$0x1F900] =	vst v63  }
0x169: {  	s28 =	simm.s32 $0x17100  }
0x16a: {  	[tilespmem:s28], [sflag:$0x3] =	stream.indirect_vreg.gather [hbm4b:s7+s3], $0x80, v4, vm0, $0xb8;
	[tilespmem:$0x1F900] =	vst v63  }
0x16b: {  	s28 =	simm.s32 $0x17900  }
0x16c: {  	[tilespmem:s28], [sflag:$0x3] =	stream.indirect_vreg.gather [hbm4b:s2+s3], $0x80, v3, vm0, $0xb8;
	[tilespmem:$0x1F900] =	vst v63  }
0x16d: {  	s28 =	simm.s32 $0x18100  }
0x16e: {  	[tilespmem:s28], [sflag:$0x3] =	stream.indirect_vreg.gather [hbm4b:s5+s3], $0x80, v3, vm0, $0xb8;
	[tilespmem:$0x1F900] =	vst v63  }
0x16f: {  	s28 =	simm.s32 $0x18900  }
0x170: {  	[tilespmem:s28], [sflag:$0x3] =	stream.indirect_vreg.gather [hbm4b:s6+s3], $0x80, v3, vm0, $0xb8;
	[tilespmem:$0x1F900] =	vst v63  }
0x171: {  	s28 =	simm.s32 $0x19100  }
0x172: {  	[tilespmem:s28], [sflag:$0x3] =	stream.indirect_vreg.gather [hbm4b:s7+s3], $0x80, v3, vm0, $0xb8;
	[tilespmem:$0x1F900] =	vst v63  }
0x173: {  	v3 =	vld [tilespmem:s26+$0xFFFFFFF0];
	_ =	sdelay $0x4  }
0x174: {  	v62 =	vshll.u32 v3, $0x3  }
0x175: {  	v3 =	vand.u32 $0x7, v3;
	v4 =	vand.u32 $0xFFFFFFC0, v62  }
0x176: {  	v3 =	vor.u32 v3, v4  }
0x177: {  	v4 =	vperm.xlane v3, v0;
	_ =	sdelay $0x1  }
0x178: {  	v4 =	vadd.s32 v1, v4;
	_ =	sdelay $0x4  }
0x179: {  	[tilespmem:s29], [sflag:$0x3] =	stream.indirect_vreg.gather [hbm4b:s2+s3], $0x80, v4, vm0, $0xb8;
	[tilespmem:$0x1F900] =	vst v63  }
0x17a: {  	v3 =	vperm.xlane v3, v2  }
0x17b: {  	[tilespmem:s17], [sflag:$0x3] =	stream.indirect_vreg.gather [hbm4b:s5+s3], $0x80, v4, vm0, $0xb8;
	[tilespmem:$0x1F900] =	vst v63  }
0x17c: {  	v3 =	vadd.s32 v1, v3  }
0x17d: {  	[tilespmem:s30], [sflag:$0x3] =	stream.indirect_vreg.gather [hbm4b:s6+s3], $0x80, v4, vm0, $0xb8;
	[tilespmem:$0x1F900] =	vst v63  }
0x17e: {  	_ = 	snop  }
0x17f: {  	[tilespmem:s18], [sflag:$0x3] =	stream.indirect_vreg.gather [hbm4b:s7+s3], $0x80, v4, vm0, $0xb8;
	[tilespmem:$0x1F900] =	vst v63  }
0x180: {  	_ = 	snop  }
0x181: {  	[tilespmem:s31], [sflag:$0x3] =	stream.indirect_vreg.gather [hbm4b:s2+s3], $0x80, v3, vm0, $0xb8;
	[tilespmem:$0x1F900] =	vst v63  }
0x182: {  	_ = 	snop  }
0x183: {  	[tilespmem:s19], [sflag:$0x3] =	stream.indirect_vreg.gather [hbm4b:s5+s3], $0x80, v3, vm0, $0xb8;
	[tilespmem:$0x1F900] =	vst v63  }
0x184: {  	_ = 	snop  }
0x185: {  	[tilespmem:s1], [sflag:$0x3] =	stream.indirect_vreg.gather [hbm4b:s6+s3], $0x80, v3, vm0, $0xb8;
	[tilespmem:$0x1F900] =	vst v63  }
0x186: {  	_ = 	snop  }
0x187: {  	[tilespmem:s20], [sflag:$0x3] =	stream.indirect_vreg.gather [hbm4b:s7+s3], $0x80, v3, vm0, $0xb8;
	[tilespmem:$0x1F900] =	vst v63  }
0x188: {  	v3 =	vld.msk [tilespmem:s26+$0x0], $0xff;
	_ =	sdelay $0x4  }
0x189: {  	v63 =	vshll.u32 v3, $0x3  }
0x18a: {  	v3 =	vand.u32 $0x7, v3;
	v4 =	vand.u32 $0xFFFFFFC0, v63  }
0x18b: {  	v3 =	vor.u32 v3, v4  }
0x18c: {  	v3 =	vperm.xlane v3, v0;
	_ =	sdelay $0x1  }
0x18d: {  	v3 =	vadd.s32 v1, v3;
	_ =	sdelay $0x4  }
0x18e: {  	[tilespmem:s4], [sflag:$0x3] =	stream.indirect_vreg.gather [hbm4b:s2+s3], $0x80, v3, vm0, $0xb8;
	[tilespmem:$0x1F900] =	vst v63  }
0x18f: {  	_ = 	snop  }
0x190: {  	[tilespmem:s21], [sflag:$0x3] =	stream.indirect_vreg.gather [hbm4b:s5+s3], $0x80, v3, vm0, $0xb8;
	[tilespmem:$0x1F900] =	vst v63  }
.Ltmp3:
0x191: {  	_ = 	snop;
	(pc) =	sbr.rel .LBB2_2-.Ltmp3, $4  }
0x192: {  	_ = 	snop  }
0x193: {  	[tilespmem:s8], [sflag:$0x3] =	stream.indirect_vreg.gather [hbm4b:s6+s3], $0x80, v3, vm0, $0xb8;
	[tilespmem:$0x1F900] =	vst v63  }
0x194: {  	s15 =	sadd.s32 $0x3C00, s15;
	s26 =	sadd.s32 $0x78, s26  }
0x195: {  	[tilespmem:s22], [sflag:$0x3] =	stream.indirect_vreg.gather [hbm4b:s7+s3], $0x80, v3, vm0, $0xb8;
	[tilespmem:$0x1F900] =	vst v63  }
.LBB2_5:
0x196: {  	_ =	sfence.sel $0x180000  }
0x197: {  	[bflag:$0x0] =	sbarrier.arrive $0xFFFF  }
0x198: {  	_ =	strace $0x90000047  }
0x199: {  	s0 =	stileid.u32;
	[bflag:$0x2] =	sbarrier.arrive $0xFFFF  }
0x19a: {  	p0 =	sne.s32 s0, $0x0;
	s0 =	rddreg [dreg:$0x3]  }
0x19b: {  	s0 =	sadd.s32 @!p0 $0x100000, s0  }
0x19c: {  	[sflag:s0] =	ssyncadd.tile.s32 @!p0 $0x1;
	_ =	shalt  }
.Lfunc_end2:
_tile_overlayer_lowered:
.L_overlay_start_2:
0x19d: {  	(tag) =	ssettag $0x2  }
0x19e: {  	s0 =	rddreg [dreg:$0x0];
	s2 =	stileid.u32  }
0x19f: {  	s1 =	rddreg [dreg:$0x1];
	p0 =	sne.s32 s2, $0x0  }
0x1a0: {  	s3 =	rddreg [dreg:$0x2];
	[bflag:$0x3] =	sbarrier.arrive $0xFFFF;
	s2 =	simm.s32 @!p0 $0x1C07  }
0x1a1: {  	[timem:s3], [sflag:s2] =	dma.local @!p0 [hbm:s0], s1  }
0x1a2: {  	s0 =	simm.s32 @!p0 $0x7  }
0x1a3: {  	_ =	swait.ge @!p0 [sflag:s0], s1  }
0x1a4: {  	s1 =	ssub.s32 @!p0 $0x0, s1;
	[sflag:s0] =	ssyncset.done @!p0 $0x0  }
0x1a5: {  	[sflag:s0] =	ssyncadd.s32 @!p0 s1  }
0x1a6: {  	[bflag:$0x3] =	sbarrier.arrive $0xFFFF  }
0x1a7: {  	_ =	shalt  }

</sc_bundles>
